<compile_context>
chip_gen: v7x
topology: tpu7x:2x2x1
jax: 0.10.2.dev20260603
libtpu: 0.0.44.dev20260713+nightly
codegen_flags: <defaults>
</compile_context>

<pallas_src>
import functools

import jax
import jax.numpy as jnp
from jax import lax
from jax.experimental import pallas as pl
from jax.experimental.pallas import tpu as pltpu
from jax.experimental.pallas import tpu_sc as plsc

ALPHA = 0.5
TRIM = 0.2
NSCALES = 4
B, H, W = 32, 512, 512
N = H * W
NB = 8192
CHUNK = 4096


def _moments_body(p_ref, t_ref, m_ref, out_ref):
    p = p_ref[0]
    t = t_ref[0]
    m = m_ref[0].astype(jnp.float32)
    mp = m * p
    a00 = jnp.sum(mp * p)
    a01 = jnp.sum(mp)
    a11 = jnp.sum(m)
    b0 = jnp.sum(mp * t)
    b1 = jnp.sum(m * t)
    lane = lax.broadcasted_iota(jnp.int32, (1, 128), 1)
    out = jnp.where(lane == 0, a00, 0.0)
    out = jnp.where(lane == 1, a01, out)
    out = jnp.where(lane == 2, a11, out)
    out = jnp.where(lane == 3, b0, out)
    out = jnp.where(lane == 4, b1, out)
    out_ref[0] = out


def _moments(prediction, target, mask):
    return pl.pallas_call(
        _moments_body,
        grid=(B,),
        in_specs=[
            pl.BlockSpec((1, H, W), lambda i: (i, 0, 0)),
            pl.BlockSpec((1, H, W), lambda i: (i, 0, 0)),
            pl.BlockSpec((1, H, W), lambda i: (i, 0, 0)),
        ],
        out_specs=pl.BlockSpec((1, 1, 128), lambda i: (i, 0, 0)),
        out_shape=jax.ShapeDtypeStruct((B, 1, 128), jnp.float32),
    )(prediction, target, mask)


def _grad_body(s_ref, p_ref, t_ref, m_ref, out_ref):
    s = s_ref[0, 0, 0]
    p = p_ref[0]
    t = t_ref[0]
    m = m_ref[0].astype(jnp.float32)
    row = lax.broadcasted_iota(jnp.int32, (H, W), 0)
    col = lax.broadcasted_iota(jnp.int32, (H, W), 1)
    lane = lax.broadcasted_iota(jnp.int32, (1, 128), 1)
    out = jnp.zeros((1, 128), jnp.float32)
    for k, st in enumerate((1, 2, 4, 8)):
        wr = ((row & (st - 1)) == 0).astype(jnp.float32)
        wc = ((col & (st - 1)) == 0).astype(jnp.float32)
        wgt = wr * wc
        mmx = m[:, st:] * m[:, : W - st] * wgt[:, : W - st]
        gx = jnp.sum(
            jnp.abs(s * (p[:, st:] - p[:, : W - st]) - (t[:, st:] - t[:, : W - st]))
            * mmx
        )
        mmy = m[st:, :] * m[: H - st, :] * wgt[: H - st, :]
        gy = jnp.sum(
            jnp.abs(s * (p[st:, :] - p[: H - st, :]) - (t[st:, :] - t[: H - st, :]))
            * mmy
        )
        cnt = jnp.sum(m * wgt)
        out = jnp.where(lane == k, gx + gy, out)
        out = jnp.where(lane == 4 + k, cnt, out)
    out_ref[0] = out


def _gradients(scale, prediction, target, mask):
    return pl.pallas_call(
        _grad_body,
        grid=(B,),
        in_specs=[
            pl.BlockSpec((1, 1, 1), lambda i: (i, 0, 0), memory_space=pltpu.SMEM),
            pl.BlockSpec((1, H, W), lambda i: (i, 0, 0)),
            pl.BlockSpec((1, H, W), lambda i: (i, 0, 0)),
            pl.BlockSpec((1, H, W), lambda i: (i, 0, 0)),
        ],
        out_specs=pl.BlockSpec((1, 1, 128), lambda i: (i, 0, 0)),
        out_shape=jax.ShapeDtypeStruct((B, 1, 128), jnp.float32),
    )(scale.reshape(B, 1, 1), prediction, target, mask)


def _sc_select_body(p_hbm, t_hbm, m_hbm, prm_hbm, out_hbm,
                    prm_v, p_v, t_v, m_v, cnt_v, sum_v, o_v):
    wid = lax.axis_index("s") * 2 + lax.axis_index("c")
    pltpu.sync_copy(prm_hbm.at[wid], prm_v)
    prm = prm_v[...]
    scale = prm[0]
    shift = prm[1]
    inv_bw = prm[2]
    kf = prm[3]

    zeros16 = jnp.zeros((16,), jnp.float32)
    ones16 = jnp.ones((16,), jnp.float32)

    def zinit(i, c):
        cnt_v[pl.ds(i * 16, 16)] = zeros16
        sum_v[pl.ds(i * 16, 16)] = zeros16
        return c

    lax.fori_loop(0, NB // 16, zinit, 0)

    def chunk_body(ci, c):
        off = ci * CHUNK
        pltpu.sync_copy(p_hbm.at[wid, pl.ds(off, CHUNK)], p_v)
        pltpu.sync_copy(t_hbm.at[wid, pl.ds(off, CHUNK)], t_v)
        pltpu.sync_copy(m_hbm.at[wid, pl.ds(off, CHUNK)], m_v)

        def vec_body(i, cc):
            sl = pl.ds(i * 16, 16)
            res = jnp.abs(scale * p_v[sl] + shift - t_v[sl])
            bin_ = jnp.minimum((res * inv_bw).astype(jnp.int32), NB - 1)
            msk = m_v[sl] > 0
            plsc.addupdate_scatter(cnt_v, [bin_], ones16, mask=msk)
            plsc.addupdate_scatter(sum_v, [bin_], res, mask=msk)
            return cc

        lax.fori_loop(0, CHUNK // 16, vec_body, c)
        return c

    lax.fori_loop(0, N // CHUNK, chunk_body, 0)

    def sel_body(i, carry):
        cacc, sacc = carry
        sl = pl.ds(i * 16, 16)
        c = cnt_v[sl]
        s = sum_v[sl]
        excl = plsc.cumsum(c) - c
        take = jnp.clip(kf - cacc - excl, 0.0, c)
        sacc = sacc + jnp.sum(take * (s / jnp.maximum(c, 1.0)))
        cacc = cacc + jnp.sum(c)
        return cacc, sacc

    _, kept = lax.fori_loop(0, NB // 16, sel_body, (0.0, 0.0))

    lanes = lax.iota(jnp.int32, 16)
    o_v[...] = jnp.where(lanes == 0, kept, 0.0)
    pltpu.sync_copy(o_v, out_hbm.at[wid])


@functools.lru_cache(maxsize=1)
def _get_sc_select():
    mesh = plsc.VectorSubcoreMesh(core_axis_name="c", subcore_axis_name="s")

    @functools.partial(
        pl.kernel,
        out_type=jax.ShapeDtypeStruct((B, 16), jnp.float32),
        mesh=mesh,
        scratch_types=[
            pltpu.VMEM((16,), jnp.float32),
            pltpu.VMEM((CHUNK,), jnp.float32),
            pltpu.VMEM((CHUNK,), jnp.float32),
            pltpu.VMEM((CHUNK,), jnp.int32),
            pltpu.VMEM((NB,), jnp.float32),
            pltpu.VMEM((NB,), jnp.float32),
            pltpu.VMEM((16,), jnp.float32),
        ],
        compiler_params=pltpu.CompilerParams(needs_layout_passes=False),
    )
    def _sc_select(*refs):
        _sc_select_body(*refs)

    return _sc_select


def kernel(prediction, target, mask):
    mom = _moments(prediction, target, mask)[:, 0]
    a00, a01, a11 = mom[:, 0], mom[:, 1], mom[:, 2]
    b0, b1 = mom[:, 3], mom[:, 4]
    det = a00 * a11 - a01 * a01
    safe = jnp.where(det != 0, det, 1.0)
    scale = jnp.where(det != 0, (a11 * b0 - a01 * b1) / safe, 0.0)
    shift = jnp.where(det != 0, (-a01 * b0 + a00 * b1) / safe, 0.0)

    m_count = a11
    num_keep = jnp.floor(m_count * (1.0 - TRIM))
    divisor = jnp.sum(m_count * (1.0 - TRIM))

    c0 = jnp.abs(shift)
    c1 = jnp.abs(shift - 1.0)
    c2 = jnp.abs(scale + shift)
    c3 = jnp.abs(scale + shift - 1.0)
    rmax = jnp.maximum(jnp.maximum(c0, c1), jnp.maximum(c2, c3))
    inv_bw = jnp.where(rmax > 0, NB / rmax, 1.0)

    params = jnp.zeros((B, 16), jnp.float32)
    params = params.at[:, 0].set(scale)
    params = params.at[:, 1].set(shift)
    params = params.at[:, 2].set(inv_bw)
    params = params.at[:, 3].set(num_keep)

    grad = _gradients(scale, prediction, target, mask)[:, 0]

    pf = prediction.reshape(B, N)
    tf = target.reshape(B, N)
    mf = mask.reshape(B, N)
    sel = _get_sc_select()(pf, tf, mf, params)
    image_loss = sel[:, 0]
    safe_div = jnp.where(divisor == 0, 1.0, divisor)
    data_loss = jnp.where(divisor == 0, 0.0, jnp.sum(image_loss) / safe_div)

    reg_loss = 0.0
    for k in range(NSCALES):
        g = jnp.sum(grad[:, k])
        c = jnp.sum(grad[:, 4 + k])
        safe_c = jnp.where(c == 0, 1.0, c)
        reg_loss = reg_loss + jnp.where(c == 0, 0.0, g / safe_c)

    total = data_loss + ALPHA * reg_loss
    return total, data_loss, reg_loss

# --- scband reference (transcript-rebuilt; emitter-appended) ---
"""Pipeline reference for scband-mi-da-sloss-33406255628553 (READ-ONLY COPY).

The authoritative reference and input builder live on the scoring server;
editing this copy changes nothing except your own understanding.
"""

import jax, jax.numpy as jnp
import numpy as np

ALPHA = 0.5
TRIM = 0.2
SCALES = 4

def compute_scale_and_shift(prediction, target, mask):
    a_00 = jnp.sum(mask * prediction * prediction, (1, 2))
    a_01 = jnp.sum(mask * prediction, (1, 2))
    a_11 = jnp.sum(mask, (1, 2))
    b_0 = jnp.sum(mask * prediction * target, (1, 2))
    b_1 = jnp.sum(mask * target, (1, 2))
    det = a_00 * a_11 - a_01 * a_01
    safe = jnp.where(det != 0, det, 1.0)
    x_0 = jnp.where(det != 0, (a_11 * b_0 - a_01 * b_1) / safe, 0.0)
    x_1 = jnp.where(det != 0, (-a_01 * b_0 + a_00 * b_1) / safe, 0.0)
    return x_0, x_1

def trimmed_mae_loss(pred, tgt, mask, trim):
    B = pred.shape[0]
    M = jnp.sum(mask, (1, 2))
    res = jnp.abs(pred - tgt).reshape(B, -1)
    mflat = mask.reshape(B, -1)
    masked = jnp.where(mflat > 0, res, jnp.inf)
    sorted_err = jnp.sort(masked, axis=1)
    num_keep = jnp.floor(M * (1.0 - trim)).astype(jnp.int32)
    keep = jnp.arange(res.shape[1])[None, :] < num_keep[:, None]
    image_loss = jnp.sum(jnp.where(keep, sorted_err, 0.0), axis=1)
    divisor = jnp.sum(M * (1.0 - trim))
    safe_div = jnp.where(divisor == 0, 1.0, divisor)
    return jnp.where(divisor == 0, 0.0, jnp.sum(image_loss) / safe_div)

def gradient_loss(pred, tgt, mask):
    M = jnp.sum(mask, (1, 2))
    diff = mask * (pred - tgt)
    grad_x = jnp.abs(diff[:, :, 1:] - diff[:, :, :-1]) * (mask[:, :, 1:] * mask[:, :, :-1])
    grad_y = jnp.abs(diff[:, 1:, :] - diff[:, :-1, :]) * (mask[:, 1:, :] * mask[:, :-1, :])
    image_loss = jnp.sum(grad_x, (1, 2)) + jnp.sum(grad_y, (1, 2))
    divisor = jnp.sum(M)
    safe_div = jnp.where(divisor == 0, 1.0, divisor)
    return jnp.where(divisor == 0, 0.0, jnp.sum(image_loss) / safe_div)

def multi_scale_gradient_loss(pred, tgt, mask, scales):
    total = 0.0
    for s in range(scales):
        step = 2 ** s
        total = total + gradient_loss(pred[:, ::step, ::step], tgt[:, ::step, ::step], mask[:, ::step, ::step])
    return total

def midas_forward(prediction, target, mask):
    maskf = mask.astype(jnp.float32)
    scale, shift = compute_scale_and_shift(prediction, target, maskf)
    aligned = scale[:, None, None] * prediction + shift[:, None, None]
    data_loss = trimmed_mae_loss(aligned, target, maskf, TRIM)
    reg_loss = multi_scale_gradient_loss(aligned, target, maskf, SCALES)
    total = data_loss + ALPHA * reg_loss
    return total, data_loss, reg_loss

def setup_inputs(seed: int = 0):
    key = jax.random.key(seed)
    k1, k2, k3 = jax.random.split(key, 3)
    prediction = jax.random.uniform(k1, (32, 512, 512), dtype=jnp.float32)
    target = jax.random.uniform(k2, (32, 512, 512), dtype=jnp.float32)
    mask = jax.random.randint(k3, (32, 512, 512), 0, 2).astype(jnp.int32)
    return {"prediction": prediction, "target": target, "mask": mask}

def reference(prediction, target, mask):
    return midas_forward(prediction, target, mask)

if __name__ == "__main__":
    import jax
    _d = setup_inputs()
    print(jax.jit(kernel)(*tuple(_d.values())))

</pallas_src>

<mosaic_0001>
#map = affine_map<(d0, d1) -> (0, 0)>
module attributes {stable_mosaic.version = 14 : i64} {
  func.func @_sc_select(%arg0: i32, %arg1: i32, %arg2: memref<32x262144xf32, #tpu.memory_space<hbm>>, %arg3: memref<32x262144xf32, #tpu.memory_space<hbm>>, %arg4: memref<32x262144xi32, #tpu.memory_space<hbm>>, %arg5: memref<32x16xf32, #tpu.memory_space<hbm>>, %arg6: memref<32x16xf32, #tpu.memory_space<hbm>>, %arg7: memref<16xf32, #tpu.memory_space<vmem>>, %arg8: memref<4096xf32, #tpu.memory_space<vmem>>, %arg9: memref<4096xf32, #tpu.memory_space<vmem>>, %arg10: memref<4096xi32, #tpu.memory_space<vmem>>, %arg11: memref<8192xf32, #tpu.memory_space<vmem>>, %arg12: memref<8192xf32, #tpu.memory_space<vmem>>, %arg13: memref<16xf32, #tpu.memory_space<vmem>>) attributes {dimension_semantics = [#tpu.dimension_semantics<core_parallel>, #tpu.dimension_semantics<subcore_parallel>], iteration_bounds = array<i64: 2, 16>, scalar_prefetch = 0 : i64, scratch_operands = 7 : i64, tpu.core_type = #tpu.core_type<sc_vector_subcore>, window_params = [{transform_indices = #map}, {transform_indices = #map}, {transform_indices = #map}, {transform_indices = #map}, {transform_indices = #map}]} {
    %mul3A = arith.constant 2 : i32
    %mul3A_0 = arith.muli %arg1, %mul3A : i32
    %add3A = arith.addi %mul3A_0, %arg0 : i32
    "tpu.region"() ({
      %run_scoped3A = tpu.sem_alloc : memref<!tpu.dma_semaphore, #tpu.memory_space<semaphore_mem>>
      %dma_start3A = arith.constant 0 : i32
      %dma_start3A_35 = tpu.memref_slice %arg5[%add3A, %dma_start3A] : memref<32x16xf32, #tpu.memory_space<hbm>> -> memref<1x16xf32, #tpu.memory_space<hbm>>
      %dma_start3A_36 = tpu.memref_squeeze %dma_start3A_35 : memref<1x16xf32, #tpu.memory_space<hbm>> -> memref<16xf32, #tpu.memory_space<hbm>>
      %dma_start3A_37 = arith.constant 0 : i32
      %dma_start3A_38 = tpu.memref_slice %arg5[%add3A, %dma_start3A_37] : memref<32x16xf32, #tpu.memory_space<hbm>> -> memref<1x16xf32, #tpu.memory_space<hbm>>
      %dma_start3A_39 = tpu.memref_squeeze %dma_start3A_38 : memref<1x16xf32, #tpu.memory_space<hbm>> -> memref<16xf32, #tpu.memory_space<hbm>>
      tpu.enqueue_dma source(%dma_start3A_39 : memref<16xf32, #tpu.memory_space<hbm>>) target(%arg7 : memref<16xf32, #tpu.memory_space<vmem>>) target_semaphore(%run_scoped3A : memref<!tpu.dma_semaphore, #tpu.memory_space<semaphore_mem>>)
      %dma_wait3A = arith.constant 0 : i32
      %dma_wait3A_40 = tpu.memref_slice %arg5[%add3A, %dma_wait3A] : memref<32x16xf32, #tpu.memory_space<hbm>> -> memref<1x16xf32, #tpu.memory_space<hbm>>
      %dma_wait3A_41 = tpu.memref_squeeze %dma_wait3A_40 : memref<1x16xf32, #tpu.memory_space<hbm>> -> memref<16xf32, #tpu.memory_space<hbm>>
      %dma_wait3A_42 = arith.constant 0 : i32
      %dma_wait3A_43 = tpu.memref_slice %arg5[%add3A, %dma_wait3A_42] : memref<32x16xf32, #tpu.memory_space<hbm>> -> memref<1x16xf32, #tpu.memory_space<hbm>>
      %dma_wait3A_44 = tpu.memref_squeeze %dma_wait3A_43 : memref<1x16xf32, #tpu.memory_space<hbm>> -> memref<16xf32, #tpu.memory_space<hbm>>
      tpu.wait_dma2 semaphore(%run_scoped3A : memref<!tpu.dma_semaphore, #tpu.memory_space<semaphore_mem>>) src(%dma_wait3A_44 : memref<16xf32, #tpu.memory_space<hbm>>) dst(%arg7 : memref<16xf32, #tpu.memory_space<vmem>>)
      tpu.yield
    }) : () -> ()
    %get3A = arith.constant 0 : index
    %get3A_1 = tpu.vector_load %arg7[%get3A] {strides = array<i32>} : memref<16xf32, #tpu.memory_space<vmem>>, vector<16xf32>,
    %slice3A = vector.extract_strided_slice %get3A_1 {offsets = [0], sizes = [1], strides = [1]} : vector<16xf32> to vector<1xf32>
    %squeeze3A = vector.extract %slice3A[0] : f32 from vector<1xf32>
    %slice3A_2 = vector.extract_strided_slice %get3A_1 {offsets = [1], sizes = [1], strides = [1]} : vector<16xf32> to vector<1xf32>
    %squeeze3A_3 = vector.extract %slice3A_2[0] : f32 from vector<1xf32>
    %slice3A_4 = vector.extract_strided_slice %get3A_1 {offsets = [2], sizes = [1], strides = [1]} : vector<16xf32> to vector<1xf32>
    %squeeze3A_5 = vector.extract %slice3A_4[0] : f32 from vector<1xf32>
    %slice3A_6 = vector.extract_strided_slice %get3A_1 {offsets = [3], sizes = [1], strides = [1]} : vector<16xf32> to vector<1xf32>
    %squeeze3A_7 = vector.extract %slice3A_6[0] : f32 from vector<1xf32>
    %broadcast_in_dim3A = arith.constant 0.000000e+00 : f32
    %broadcast_in_dim3A_8 = vector.broadcast %broadcast_in_dim3A : f32 to vector<16xf32>
    %broadcast_in_dim3A_9 = arith.constant 1.000000e+00 : f32
    %broadcast_in_dim3A_10 = vector.broadcast %broadcast_in_dim3A_9 : f32 to vector<16xf32>
    %scan3A = arith.constant 0 : i32
    %scan3A_11 = arith.constant 0 : i32
    %scan3A_12 = arith.constant 512 : i32
    %scan3A_13 = arith.addi %scan3A_11, %scan3A_12 : i32
    %scan3A_14 = arith.constant 1 : i32
    scf.for %scan3A_35 = %scan3A_11 to %scan3A_13 step %scan3A_14  : i32 {
      %mul3A_36 = arith.constant 16 : i32
      %mul3A_37 = arith.muli %scan3A_35, %mul3A_36 : i32
      %swap3A_38 = arith.index_cast %mul3A_37 : i32 to index
      %swap3A_39 = tpu.vector_load %arg11[%swap3A_38] {strides = array<i32>} : memref<8192xf32, #tpu.memory_space<vmem>>, vector<16xf32>,
      tpu.vector_store %arg11[%swap3A_38], %broadcast_in_dim3A_8 {strides = array<i32>} : memref<8192xf32, #tpu.memory_space<vmem>>, vector<16xf32>,
      %mul3A_40 = arith.constant 16 : i32
      %mul3A_41 = arith.muli %scan3A_35, %mul3A_40 : i32
      %swap3A_42 = arith.index_cast %mul3A_41 : i32 to index
      %swap3A_43 = tpu.vector_load %arg12[%swap3A_42] {strides = array<i32>} : memref<8192xf32, #tpu.memory_space<vmem>>, vector<16xf32>,
      tpu.vector_store %arg12[%swap3A_42], %broadcast_in_dim3A_8 {strides = array<i32>} : memref<8192xf32, #tpu.memory_space<vmem>>, vector<16xf32>,
    }
    %scan3A_15 = arith.constant 512 : i32
    %scan3A_16 = arith.constant 0 : i32
    %scan3A_17 = arith.constant 0 : i32
    %scan3A_18 = arith.constant 64 : i32
    %scan3A_19 = arith.addi %scan3A_17, %scan3A_18 : i32
    %scan3A_20 = arith.constant 1 : i32
    scf.for %scan3A_35 = %scan3A_17 to %scan3A_19 step %scan3A_20  : i32 {
      %mul3A_36 = arith.constant 4096 : i32
      %mul3A_37 = arith.muli %scan3A_35, %mul3A_36 : i32
      "tpu.region"() ({
        %run_scoped3A = tpu.sem_alloc : memref<!tpu.dma_semaphore, #tpu.memory_space<semaphore_mem>>
        %dma_start3A = tpu.memref_slice %arg2[%add3A, %mul3A_37] : memref<32x262144xf32, #tpu.memory_space<hbm>> -> memref<1x4096xf32, #tpu.memory_space<hbm>>
        %dma_start3A_43 = tpu.memref_squeeze %dma_start3A : memref<1x4096xf32, #tpu.memory_space<hbm>> -> memref<4096xf32, #tpu.memory_space<hbm>>
        %dma_start3A_44 = tpu.memref_slice %arg2[%add3A, %mul3A_37] : memref<32x262144xf32, #tpu.memory_space<hbm>> -> memref<1x4096xf32, #tpu.memory_space<hbm>>
        %dma_start3A_45 = tpu.memref_squeeze %dma_start3A_44 : memref<1x4096xf32, #tpu.memory_space<hbm>> -> memref<4096xf32, #tpu.memory_space<hbm>>
        tpu.enqueue_dma source(%dma_start3A_45 : memref<4096xf32, #tpu.memory_space<hbm>>) target(%arg8 : memref<4096xf32, #tpu.memory_space<vmem>>) target_semaphore(%run_scoped3A : memref<!tpu.dma_semaphore, #tpu.memory_space<semaphore_mem>>)
        %dma_wait3A = tpu.memref_slice %arg2[%add3A, %mul3A_37] : memref<32x262144xf32, #tpu.memory_space<hbm>> -> memref<1x4096xf32, #tpu.memory_space<hbm>>
        %dma_wait3A_46 = tpu.memref_squeeze %dma_wait3A : memref<1x4096xf32, #tpu.memory_space<hbm>> -> memref<4096xf32, #tpu.memory_space<hbm>>
        %dma_wait3A_47 = tpu.memref_slice %arg2[%add3A, %mul3A_37] : memref<32x262144xf32, #tpu.memory_space<hbm>> -> memref<1x4096xf32, #tpu.memory_space<hbm>>
        %dma_wait3A_48 = tpu.memref_squeeze %dma_wait3A_47 : memref<1x4096xf32, #tpu.memory_space<hbm>> -> memref<4096xf32, #tpu.memory_space<hbm>>
        tpu.wait_dma2 semaphore(%run_scoped3A : memref<!tpu.dma_semaphore, #tpu.memory_space<semaphore_mem>>) src(%dma_wait3A_48 : memref<4096xf32, #tpu.memory_space<hbm>>) dst(%arg8 : memref<4096xf32, #tpu.memory_space<vmem>>)
        tpu.yield
      }) : () -> ()
      "tpu.region"() ({
        %run_scoped3A = tpu.sem_alloc : memref<!tpu.dma_semaphore, #tpu.memory_space<semaphore_mem>>
        %dma_start3A = tpu.memref_slice %arg3[%add3A, %mul3A_37] : memref<32x262144xf32, #tpu.memory_space<hbm>> -> memref<1x4096xf32, #tpu.memory_space<hbm>>
        %dma_start3A_43 = tpu.memref_squeeze %dma_start3A : memref<1x4096xf32, #tpu.memory_space<hbm>> -> memref<4096xf32, #tpu.memory_space<hbm>>
        %dma_start3A_44 = tpu.memref_slice %arg3[%add3A, %mul3A_37] : memref<32x262144xf32, #tpu.memory_space<hbm>> -> memref<1x4096xf32, #tpu.memory_space<hbm>>
        %dma_start3A_45 = tpu.memref_squeeze %dma_start3A_44 : memref<1x4096xf32, #tpu.memory_space<hbm>> -> memref<4096xf32, #tpu.memory_space<hbm>>
        tpu.enqueue_dma source(%dma_start3A_45 : memref<4096xf32, #tpu.memory_space<hbm>>) target(%arg9 : memref<4096xf32, #tpu.memory_space<vmem>>) target_semaphore(%run_scoped3A : memref<!tpu.dma_semaphore, #tpu.memory_space<semaphore_mem>>)
        %dma_wait3A = tpu.memref_slice %arg3[%add3A, %mul3A_37] : memref<32x262144xf32, #tpu.memory_space<hbm>> -> memref<1x4096xf32, #tpu.memory_space<hbm>>
        %dma_wait3A_46 = tpu.memref_squeeze %dma_wait3A : memref<1x4096xf32, #tpu.memory_space<hbm>> -> memref<4096xf32, #tpu.memory_space<hbm>>
        %dma_wait3A_47 = tpu.memref_slice %arg3[%add3A, %mul3A_37] : memref<32x262144xf32, #tpu.memory_space<hbm>> -> memref<1x4096xf32, #tpu.memory_space<hbm>>
        %dma_wait3A_48 = tpu.memref_squeeze %dma_wait3A_47 : memref<1x4096xf32, #tpu.memory_space<hbm>> -> memref<4096xf32, #tpu.memory_space<hbm>>
        tpu.wait_dma2 semaphore(%run_scoped3A : memref<!tpu.dma_semaphore, #tpu.memory_space<semaphore_mem>>) src(%dma_wait3A_48 : memref<4096xf32, #tpu.memory_space<hbm>>) dst(%arg9 : memref<4096xf32, #tpu.memory_space<vmem>>)
        tpu.yield
      }) : () -> ()
      "tpu.region"() ({
        %run_scoped3A = tpu.sem_alloc : memref<!tpu.dma_semaphore, #tpu.memory_space<semaphore_mem>>
        %dma_start3A = tpu.memref_slice %arg4[%add3A, %mul3A_37] : memref<32x262144xi32, #tpu.memory_space<hbm>> -> memref<1x4096xi32, #tpu.memory_space<hbm>>
        %dma_start3A_43 = tpu.memref_squeeze %dma_start3A : memref<1x4096xi32, #tpu.memory_space<hbm>> -> memref<4096xi32, #tpu.memory_space<hbm>>
        %dma_start3A_44 = tpu.memref_slice %arg4[%add3A, %mul3A_37] : memref<32x262144xi32, #tpu.memory_space<hbm>> -> memref<1x4096xi32, #tpu.memory_space<hbm>>
        %dma_start3A_45 = tpu.memref_squeeze %dma_start3A_44 : memref<1x4096xi32, #tpu.memory_space<hbm>> -> memref<4096xi32, #tpu.memory_space<hbm>>
        tpu.enqueue_dma source(%dma_start3A_45 : memref<4096xi32, #tpu.memory_space<hbm>>) target(%arg10 : memref<4096xi32, #tpu.memory_space<vmem>>) target_semaphore(%run_scoped3A : memref<!tpu.dma_semaphore, #tpu.memory_space<semaphore_mem>>)
        %dma_wait3A = tpu.memref_slice %arg4[%add3A, %mul3A_37] : memref<32x262144xi32, #tpu.memory_space<hbm>> -> memref<1x4096xi32, #tpu.memory_space<hbm>>
        %dma_wait3A_46 = tpu.memref_squeeze %dma_wait3A : memref<1x4096xi32, #tpu.memory_space<hbm>> -> memref<4096xi32, #tpu.memory_space<hbm>>
        %dma_wait3A_47 = tpu.memref_slice %arg4[%add3A, %mul3A_37] : memref<32x262144xi32, #tpu.memory_space<hbm>> -> memref<1x4096xi32, #tpu.memory_space<hbm>>
        %dma_wait3A_48 = tpu.memref_squeeze %dma_wait3A_47 : memref<1x4096xi32, #tpu.memory_space<hbm>> -> memref<4096xi32, #tpu.memory_space<hbm>>
        tpu.wait_dma2 semaphore(%run_scoped3A : memref<!tpu.dma_semaphore, #tpu.memory_space<semaphore_mem>>) src(%dma_wait3A_48 : memref<4096xi32, #tpu.memory_space<hbm>>) dst(%arg10 : memref<4096xi32, #tpu.memory_space<vmem>>)
        tpu.yield
      }) : () -> ()
      %scan3A_38 = arith.constant 0 : i32
      %scan3A_39 = arith.constant 256 : i32
      %scan3A_40 = arith.addi %scan3A_38, %scan3A_39 : i32
      %scan3A_41 = arith.constant 1 : i32
      scf.for %scan3A_43 = %scan3A_38 to %scan3A_40 step %scan3A_41  : i32 {
        %mul3A_44 = arith.constant 16 : i32
        %mul3A_45 = arith.muli %scan3A_43, %mul3A_44 : i32
        %get3A_46 = arith.index_cast %mul3A_45 : i32 to index
        %get3A_47 = tpu.vector_load %arg8[%get3A_46] {strides = array<i32>} : memref<4096xf32, #tpu.memory_space<vmem>>, vector<16xf32>,
        %mul3A_48 = vector.broadcast %squeeze3A : f32 to vector<16xf32>
        %mul3A_49 = arith.mulf %mul3A_48, %get3A_47 : vector<16xf32>
        %add3A_50 = vector.broadcast %squeeze3A_3 : f32 to vector<16xf32>
        %add3A_51 = arith.addf %mul3A_49, %add3A_50 : vector<16xf32>
        %get3A_52 = arith.index_cast %mul3A_45 : i32 to index
        %get3A_53 = tpu.vector_load %arg9[%get3A_52] {strides = array<i32>} : memref<4096xf32, #tpu.memory_space<vmem>>, vector<16xf32>,
        %sub3A = arith.subf %add3A_51, %get3A_53 : vector<16xf32>
        %abs3A = math.absf %sub3A : vector<16xf32>
        %mul3A_54 = vector.broadcast %squeeze3A_5 : f32 to vector<16xf32>
        %mul3A_55 = arith.mulf %abs3A, %mul3A_54 : vector<16xf32>
        %convert_element_type3A = arith.fptosi %mul3A_55 : vector<16xf32> to vector<16xi32>
        %min3A = arith.constant 8191 : i32
        %min3A_56 = vector.broadcast %min3A : i32 to vector<16xi32>
        %min3A_57 = arith.minsi %convert_element_type3A, %min3A_56 : vector<16xi32>
        %get3A_58 = arith.index_cast %mul3A_45 : i32 to index
        %get3A_59 = tpu.vector_load %arg10[%get3A_58] {strides = array<i32>} : memref<4096xi32, #tpu.memory_space<vmem>>, vector<16xi32>,
        %gt3A = arith.constant 0 : i32
        %gt3A_60 = vector.broadcast %gt3A : i32 to vector<16xi32>
        %gt3A_61 = arith.cmpi sgt, %get3A_59, %gt3A_60 : vector<16xi32>
        tpu.vector_store_idx %arg11[%min3A_57], %broadcast_in_dim3A_10 masked %gt3A_61 {add = true} : memref<8192xf32, #tpu.memory_space<vmem>>[vector<16xi32>], vector<16xf32>, vector<16xi1>
        tpu.vector_store_idx %arg12[%min3A_57], %abs3A masked %gt3A_61 {add = true} : memref<8192xf32, #tpu.memory_space<vmem>>[vector<16xi32>], vector<16xf32>, vector<16xi1>
      }
      %scan3A_42 = arith.constant 256 : i32
    }
    %scan3A_21 = arith.constant 64 : i32
    %scan3A_22 = arith.constant 0.000000e+00 : f32
    %scan3A_23 = arith.constant 0.000000e+00 : f32
    %scan3A_24 = arith.constant 0 : i32
    %scan3A_25 = arith.constant 512 : i32
    %scan3A_26 = arith.addi %scan3A_24, %scan3A_25 : i32
    %scan3A_27 = arith.constant 1 : i32
    %scan3A_28:2 = scf.for %scan3A_35 = %scan3A_24 to %scan3A_26 step %scan3A_27 iter_args(%scan3A_36 = %scan3A_22, %scan3A_37 = %scan3A_23) -> (f32, f32)  : i32 {
      %mul3A_38 = arith.constant 16 : i32
      %mul3A_39 = arith.muli %scan3A_35, %mul3A_38 : i32
      %get3A_40 = arith.index_cast %mul3A_39 : i32 to index
      %get3A_41 = tpu.vector_load %arg11[%get3A_40] {strides = array<i32>} : memref<8192xf32, #tpu.memory_space<vmem>>, vector<16xf32>,
      %get3A_42 = arith.index_cast %mul3A_39 : i32 to index
      %get3A_43 = tpu.vector_load %arg12[%get3A_42] {strides = array<i32>} : memref<8192xf32, #tpu.memory_space<vmem>>, vector<16xf32>,
      %broadcast_in_dim3A_44 = arith.constant true
      %broadcast_in_dim3A_45 = vector.broadcast %broadcast_in_dim3A_44 : i1 to vector<16xi1>
      %masked_cumsum3A = tpu.scan <sum>, %get3A_41 masked %broadcast_in_dim3A_45 : vector<16xf32>, vector<16xi1> -> vector<16xf32>
      %sub3A = arith.subf %masked_cumsum3A, %get3A_41 : vector<16xf32>
      %sub3A_46 = arith.subf %squeeze3A_7, %scan3A_36 : f32
      %sub3A_47 = vector.broadcast %sub3A_46 : f32 to vector<16xf32>
      %sub3A_48 = arith.subf %sub3A_47, %sub3A : vector<16xf32>
      %jit3A_49 = arith.constant 0.000000e+00 : f32
      %max3A = vector.broadcast %jit3A_49 : f32 to vector<16xf32>
      %max3A_50 = arith.maximumf %max3A, %sub3A_48 : vector<16xf32>
      %min3A = arith.minimumf %get3A_41, %max3A_50 : vector<16xf32>
      %max3A_51 = arith.constant 1.000000e+00 : f32
      %max3A_52 = vector.broadcast %max3A_51 : f32 to vector<16xf32>
      %max3A_53 = arith.maximumf %get3A_41, %max3A_52 : vector<16xf32>
      %div3A = arith.divf %get3A_43, %max3A_53 : vector<16xf32>
      %mul3A_54 = arith.mulf %min3A, %div3A : vector<16xf32>
      %reduce_sum3A = arith.constant true
      %reduce_sum3A_55 = vector.broadcast %reduce_sum3A : i1 to vector<16xi1>
      %reduce_sum3A_56 = tpu.scan <sum>, %mul3A_54 masked %reduce_sum3A_55 : vector<16xf32>, vector<16xi1> -> vector<16xf32>
      %reduce_sum3A_57 = vector.extract %reduce_sum3A_56[15] : f32 from vector<16xf32>
      %add3A_58 = arith.addf %scan3A_37, %reduce_sum3A_57 : f32
      %reduce_sum3A_59 = arith.constant true
      %reduce_sum3A_60 = vector.broadcast %reduce_sum3A_59 : i1 to vector<16xi1>
      %reduce_sum3A_61 = tpu.scan <sum>, %get3A_41 masked %reduce_sum3A_60 : vector<16xf32>, vector<16xi1> -> vector<16xf32>
      %reduce_sum3A_62 = vector.extract %reduce_sum3A_61[15] : f32 from vector<16xf32>
      %add3A_63 = arith.addf %scan3A_36, %reduce_sum3A_62 : f32
      scf.yield %add3A_63, %add3A_58 : f32, f32
    }
    %scan3A_29 = arith.constant 512 : i32
    %iota3A = tpu.iota {dimensions = array<i32: 0>} : vector<16xi32>
    %eq3A = arith.constant 0 : i32
    %eq3A_30 = vector.broadcast %eq3A : i32 to vector<16xi32>
    %eq3A_31 = arith.cmpi eq, %iota3A, %eq3A_30 : vector<16xi32>
    %jit3A = arith.constant 0.000000e+00 : f32
    %broadcast_in_dim3A_32 = vector.broadcast %scan3A_28#1 : f32 to vector<16xf32>
    %broadcast_in_dim3A_33 = vector.broadcast %jit3A : f32 to vector<16xf32>
    %select_n3A = arith.select %eq3A_31, %broadcast_in_dim3A_32, %broadcast_in_dim3A_33 : vector<16xi1>, vector<16xf32>
    %swap3A = arith.constant 0 : index
    %swap3A_34 = tpu.vector_load %arg13[%swap3A] {strides = array<i32>} : memref<16xf32, #tpu.memory_space<vmem>>, vector<16xf32>,
    tpu.vector_store %arg13[%swap3A], %select_n3A {strides = array<i32>} : memref<16xf32, #tpu.memory_space<vmem>>, vector<16xf32>,
    "tpu.region"() ({
      %run_scoped3A = tpu.sem_alloc : memref<!tpu.dma_semaphore, #tpu.memory_space<semaphore_mem>>
      %dma_start3A = arith.constant 0 : i32
      %dma_start3A_35 = tpu.memref_slice %arg6[%add3A, %dma_start3A] : memref<32x16xf32, #tpu.memory_space<hbm>> -> memref<1x16xf32, #tpu.memory_space<hbm>>
      %dma_start3A_36 = tpu.memref_squeeze %dma_start3A_35 : memref<1x16xf32, #tpu.memory_space<hbm>> -> memref<16xf32, #tpu.memory_space<hbm>>
      %dma_start3A_37 = arith.constant 0 : i32
      %dma_start3A_38 = tpu.memref_slice %arg6[%add3A, %dma_start3A_37] : memref<32x16xf32, #tpu.memory_space<hbm>> -> memref<1x16xf32, #tpu.memory_space<hbm>>
      %dma_start3A_39 = tpu.memref_squeeze %dma_start3A_38 : memref<1x16xf32, #tpu.memory_space<hbm>> -> memref<16xf32, #tpu.memory_space<hbm>>
      tpu.enqueue_dma source(%arg13 : memref<16xf32, #tpu.memory_space<vmem>>) target(%dma_start3A_39 : memref<16xf32, #tpu.memory_space<hbm>>) target_semaphore(%run_scoped3A : memref<!tpu.dma_semaphore, #tpu.memory_space<semaphore_mem>>)
      %dma_wait3A = arith.constant 0 : i32
      %dma_wait3A_40 = tpu.memref_slice %arg6[%add3A, %dma_wait3A] : memref<32x16xf32, #tpu.memory_space<hbm>> -> memref<1x16xf32, #tpu.memory_space<hbm>>
      %dma_wait3A_41 = tpu.memref_squeeze %dma_wait3A_40 : memref<1x16xf32, #tpu.memory_space<hbm>> -> memref<16xf32, #tpu.memory_space<hbm>>
      %dma_wait3A_42 = arith.constant 0 : i32
      %dma_wait3A_43 = tpu.memref_slice %arg6[%add3A, %dma_wait3A_42] : memref<32x16xf32, #tpu.memory_space<hbm>> -> memref<1x16xf32, #tpu.memory_space<hbm>>
      %dma_wait3A_44 = tpu.memref_squeeze %dma_wait3A_43 : memref<1x16xf32, #tpu.memory_space<hbm>> -> memref<16xf32, #tpu.memory_space<hbm>>
      tpu.wait_dma2 semaphore(%run_scoped3A : memref<!tpu.dma_semaphore, #tpu.memory_space<semaphore_mem>>) src(%arg13 : memref<16xf32, #tpu.memory_space<vmem>>) dst(%dma_wait3A_44 : memref<16xf32, #tpu.memory_space<hbm>>)
      tpu.yield
    }) : () -> ()
    return
  }
}

module attributes {stable_mosaic.version = 14 : i64} {
  func.func @_moments_body(%arg0: i32, %arg1: memref<1x512x512xf32, #tpu.memory_space<vmem>>, %arg2: memref<1x512x512xf32, #tpu.memory_space<vmem>>, %arg3: memref<1x512x512xi32, #tpu.memory_space<vmem>>, %arg4: memref<1x1x128xf32, #tpu.memory_space<vmem>>) attributes {dimension_semantics = [#tpu.dimension_semantics<arbitrary>], iteration_bounds = array<i64: 32>, scalar_prefetch = 0 : i64, scratch_operands = 0 : i64, tpu.core_type = #tpu.core_type<tc>, window_params = [{transform_indices = @transform_0, window_bounds = array<i64: 1, 512, 512>}, {transform_indices = @transform_1, window_bounds = array<i64: 1, 512, 512>}, {transform_indices = @transform_2, window_bounds = array<i64: 1, 512, 512>}, {transform_indices = @transform_3, window_bounds = array<i64: 1, 1, 128>}]} {
    %get3A = arith.constant 0 : index
    %get3A_0 = arith.constant 0 : index
    %get3A_1 = arith.constant 0 : index
    %get3A_2 = vector.load %arg1[%get3A, %get3A_0, %get3A_1] : memref<1x512x512xf32, #tpu.memory_space<vmem>>, vector<1x512x512xf32>
    %get3A_3 = vector.shape_cast %get3A_2 : vector<1x512x512xf32> to vector<512x512xf32>
    %get3A_4 = arith.constant 0 : index
    %get3A_5 = arith.constant 0 : index
    %get3A_6 = arith.constant 0 : index
    %get3A_7 = vector.load %arg2[%get3A_4, %get3A_5, %get3A_6] : memref<1x512x512xf32, #tpu.memory_space<vmem>>, vector<1x512x512xf32>
    %get3A_8 = vector.shape_cast %get3A_7 : vector<1x512x512xf32> to vector<512x512xf32>
    %get3A_9 = arith.constant 0 : index
    %get3A_10 = arith.constant 0 : index
    %get3A_11 = arith.constant 0 : index
    %get3A_12 = vector.load %arg3[%get3A_9, %get3A_10, %get3A_11] : memref<1x512x512xi32, #tpu.memory_space<vmem>>, vector<1x512x512xi32>
    %get3A_13 = vector.shape_cast %get3A_12 : vector<1x512x512xi32> to vector<512x512xi32>
    %convert_element_type3A = arith.sitofp %get3A_13 : vector<512x512xi32> to vector<512x512xf32>
    %mul3A = arith.mulf %convert_element_type3A, %get3A_3 : vector<512x512xf32>
    %mul3A_14 = arith.mulf %mul3A, %get3A_3 : vector<512x512xf32>
    %reduce_sum3A = vector.shape_cast %mul3A_14 : vector<512x512xf32> to vector<1x512x512xf32>
    %reduce_sum3A_15 = arith.constant dense<0.000000e+00> : vector<1xf32>
    %reduce_sum3A_16 = vector.multi_reduction <add>, %reduce_sum3A, %reduce_sum3A_15 [1, 2] : vector<1x512x512xf32> to vector<1xf32>
    %reduce_sum3A_17 = vector.shape_cast %reduce_sum3A_16 : vector<1xf32> to vector<1x1x1xf32>
    %reduce_sum3A_18 = vector.extract %reduce_sum3A_17[0, 0, 0] : f32 from vector<1x1x1xf32>
    %reduce_sum3A_19 = vector.shape_cast %mul3A : vector<512x512xf32> to vector<1x512x512xf32>
    %reduce_sum3A_20 = arith.constant dense<0.000000e+00> : vector<1xf32>
    %reduce_sum3A_21 = vector.multi_reduction <add>, %reduce_sum3A_19, %reduce_sum3A_20 [1, 2] : vector<1x512x512xf32> to vector<1xf32>
    %reduce_sum3A_22 = vector.shape_cast %reduce_sum3A_21 : vector<1xf32> to vector<1x1x1xf32>
    %reduce_sum3A_23 = vector.extract %reduce_sum3A_22[0, 0, 0] : f32 from vector<1x1x1xf32>
    %reduce_sum3A_24 = vector.shape_cast %convert_element_type3A : vector<512x512xf32> to vector<1x512x512xf32>
    %reduce_sum3A_25 = arith.constant dense<0.000000e+00> : vector<1xf32>
    %reduce_sum3A_26 = vector.multi_reduction <add>, %reduce_sum3A_24, %reduce_sum3A_25 [1, 2] : vector<1x512x512xf32> to vector<1xf32>
    %reduce_sum3A_27 = vector.shape_cast %reduce_sum3A_26 : vector<1xf32> to vector<1x1x1xf32>
    %reduce_sum3A_28 = vector.extract %reduce_sum3A_27[0, 0, 0] : f32 from vector<1x1x1xf32>
    %mul3A_29 = arith.mulf %mul3A, %get3A_8 : vector<512x512xf32>
    %reduce_sum3A_30 = vector.shape_cast %mul3A_29 : vector<512x512xf32> to vector<1x512x512xf32>
    %reduce_sum3A_31 = arith.constant dense<0.000000e+00> : vector<1xf32>
    %reduce_sum3A_32 = vector.multi_reduction <add>, %reduce_sum3A_30, %reduce_sum3A_31 [1, 2] : vector<1x512x512xf32> to vector<1xf32>
    %reduce_sum3A_33 = vector.shape_cast %reduce_sum3A_32 : vector<1xf32> to vector<1x1x1xf32>
    %reduce_sum3A_34 = vector.extract %reduce_sum3A_33[0, 0, 0] : f32 from vector<1x1x1xf32>
    %mul3A_35 = arith.mulf %convert_element_type3A, %get3A_8 : vector<512x512xf32>
    %reduce_sum3A_36 = vector.shape_cast %mul3A_35 : vector<512x512xf32> to vector<1x512x512xf32>
    %reduce_sum3A_37 = arith.constant dense<0.000000e+00> : vector<1xf32>
    %reduce_sum3A_38 = vector.multi_reduction <add>, %reduce_sum3A_36, %reduce_sum3A_37 [1, 2] : vector<1x512x512xf32> to vector<1xf32>
    %reduce_sum3A_39 = vector.shape_cast %reduce_sum3A_38 : vector<1xf32> to vector<1x1x1xf32>
    %reduce_sum3A_40 = vector.extract %reduce_sum3A_39[0, 0, 0] : f32 from vector<1x1x1xf32>
    %iota3A = tpu.iota {dimensions = array<i32: 1>} : vector<1x128xi32>
    %eq3A = arith.constant 0 : i32
    %eq3A_41 = vector.broadcast %eq3A : i32 to vector<1x128xi32>
    %eq3A_42 = arith.cmpi eq, %iota3A, %eq3A_41 : vector<1x128xi32>
    %jit3A = arith.constant 0.000000e+00 : f32
    %broadcast_in_dim3A = vector.broadcast %reduce_sum3A_18 : f32 to vector<1x128xf32>
    %broadcast_in_dim3A_43 = vector.broadcast %jit3A : f32 to vector<1x128xf32>
    %select_n3A = arith.select %eq3A_42, %broadcast_in_dim3A, %broadcast_in_dim3A_43 : vector<1x128xi1>, vector<1x128xf32>
    %eq3A_44 = arith.constant 1 : i32
    %eq3A_45 = vector.broadcast %eq3A_44 : i32 to vector<1x128xi32>
    %eq3A_46 = arith.cmpi eq, %iota3A, %eq3A_45 : vector<1x128xi32>
    %broadcast_in_dim3A_47 = vector.broadcast %reduce_sum3A_23 : f32 to vector<1x128xf32>
    %select_n3A_48 = arith.select %eq3A_46, %broadcast_in_dim3A_47, %select_n3A : vector<1x128xi1>, vector<1x128xf32>
    %eq3A_49 = arith.constant 2 : i32
    %eq3A_50 = vector.broadcast %eq3A_49 : i32 to vector<1x128xi32>
    %eq3A_51 = arith.cmpi eq, %iota3A, %eq3A_50 : vector<1x128xi32>
    %broadcast_in_dim3A_52 = vector.broadcast %reduce_sum3A_28 : f32 to vector<1x128xf32>
    %select_n3A_53 = arith.select %eq3A_51, %broadcast_in_dim3A_52, %select_n3A_48 : vector<1x128xi1>, vector<1x128xf32>
    %eq3A_54 = arith.constant 3 : i32
    %eq3A_55 = vector.broadcast %eq3A_54 : i32 to vector<1x128xi32>
    %eq3A_56 = arith.cmpi eq, %iota3A, %eq3A_55 : vector<1x128xi32>
    %broadcast_in_dim3A_57 = vector.broadcast %reduce_sum3A_34 : f32 to vector<1x128xf32>
    %select_n3A_58 = arith.select %eq3A_56, %broadcast_in_dim3A_57, %select_n3A_53 : vector<1x128xi1>, vector<1x128xf32>
    %eq3A_59 = arith.constant 4 : i32
    %eq3A_60 = vector.broadcast %eq3A_59 : i32 to vector<1x128xi32>
    %eq3A_61 = arith.cmpi eq, %iota3A, %eq3A_60 : vector<1x128xi32>
    %broadcast_in_dim3A_62 = vector.broadcast %reduce_sum3A_40 : f32 to vector<1x128xf32>
    %select_n3A_63 = arith.select %eq3A_61, %broadcast_in_dim3A_62, %select_n3A_58 : vector<1x128xi1>, vector<1x128xf32>
    %swap3A = arith.constant 0 : index
    %swap3A_64 = arith.constant 0 : index
    %swap3A_65 = arith.constant 0 : index
    %swap3A_66 = vector.load %arg4[%swap3A, %swap3A_64, %swap3A_65] : memref<1x1x128xf32, #tpu.memory_space<vmem>>, vector<1x1x128xf32>
    %swap3A_67 = vector.shape_cast %swap3A_66 : vector<1x1x128xf32> to vector<1x128xf32>
    %swap3A_68 = vector.shape_cast %select_n3A_63 : vector<1x128xf32> to vector<1x1x128xf32>
    tpu.vector_store %arg4[%swap3A, %swap3A_64, %swap3A_65], %swap3A_68 {strides = array<i32>} : memref<1x1x128xf32, #tpu.memory_space<vmem>>, vector<1x1x128xf32>,
    return
  }
  func.func @transform_0(%arg0: i32) -> (i32, i32, i32) {
    %c0_i32 = arith.constant 0 : i32
    %c0_i32_0 = arith.constant 0 : i32
    %c0_i32_1 = arith.constant 0 : i32
    return %arg0, %c0_i32, %c0_i32_0 : i32, i32, i32
  }
  func.func @transform_1(%arg0: i32) -> (i32, i32, i32) {
    %c0_i32 = arith.constant 0 : i32
    %c0_i32_0 = arith.constant 0 : i32
    %c0_i32_1 = arith.constant 0 : i32
    return %arg0, %c0_i32, %c0_i32_0 : i32, i32, i32
  }
  func.func @transform_2(%arg0: i32) -> (i32, i32, i32) {
    %c0_i32 = arith.constant 0 : i32
    %c0_i32_0 = arith.constant 0 : i32
    %c0_i32_1 = arith.constant 0 : i32
    return %arg0, %c0_i32, %c0_i32_0 : i32, i32, i32
  }
  func.func @transform_3(%arg0: i32) -> (i32, i32, i32) {
    %c0_i32 = arith.constant 0 : i32
    %c0_i32_0 = arith.constant 0 : i32
    %c0_i32_1 = arith.constant 0 : i32
    return %arg0, %c0_i32, %c0_i32_0 : i32, i32, i32
  }
}

module attributes {stable_mosaic.version = 14 : i64} {
  func.func @_grad_body(%arg0: i32, %arg1: memref<1x1x1xf32, #tpu.memory_space<smem>>, %arg2: memref<1x512x512xf32, #tpu.memory_space<vmem>>, %arg3: memref<1x512x512xf32, #tpu.memory_space<vmem>>, %arg4: memref<1x512x512xi32, #tpu.memory_space<vmem>>, %arg5: memref<1x1x128xf32, #tpu.memory_space<vmem>>) attributes {dimension_semantics = [#tpu.dimension_semantics<arbitrary>], iteration_bounds = array<i64: 32>, scalar_prefetch = 0 : i64, scratch_operands = 0 : i64, tpu.core_type = #tpu.core_type<tc>, window_params = [{transform_indices = @transform_0, window_bounds = array<i64: 1, 1, 1>}, {transform_indices = @transform_1, window_bounds = array<i64: 1, 512, 512>}, {transform_indices = @transform_2, window_bounds = array<i64: 1, 512, 512>}, {transform_indices = @transform_3, window_bounds = array<i64: 1, 512, 512>}, {transform_indices = @transform_4, window_bounds = array<i64: 1, 1, 128>}]} {
    %get3A = arith.constant 0 : index
    %get3A_0 = arith.constant 0 : index
    %get3A_1 = arith.constant 0 : index
    %get3A_2 = memref.load %arg1[%get3A, %get3A_0, %get3A_1] : memref<1x1x1xf32, #tpu.memory_space<smem>>
    %get3A_3 = arith.constant 0 : index
    %get3A_4 = arith.constant 0 : index
    %get3A_5 = arith.constant 0 : index
    %get3A_6 = vector.load %arg2[%get3A_3, %get3A_4, %get3A_5] : memref<1x512x512xf32, #tpu.memory_space<vmem>>, vector<1x512x512xf32>
    %get3A_7 = vector.shape_cast %get3A_6 : vector<1x512x512xf32> to vector<512x512xf32>
    %get3A_8 = arith.constant 0 : index
    %get3A_9 = arith.constant 0 : index
    %get3A_10 = arith.constant 0 : index
    %get3A_11 = vector.load %arg3[%get3A_8, %get3A_9, %get3A_10] : memref<1x512x512xf32, #tpu.memory_space<vmem>>, vector<1x512x512xf32>
    %get3A_12 = vector.shape_cast %get3A_11 : vector<1x512x512xf32> to vector<512x512xf32>
    %get3A_13 = arith.constant 0 : index
    %get3A_14 = arith.constant 0 : index
    %get3A_15 = arith.constant 0 : index
    %get3A_16 = vector.load %arg4[%get3A_13, %get3A_14, %get3A_15] : memref<1x512x512xi32, #tpu.memory_space<vmem>>, vector<1x512x512xi32>
    %get3A_17 = vector.shape_cast %get3A_16 : vector<1x512x512xi32> to vector<512x512xi32>
    %convert_element_type3A = arith.sitofp %get3A_17 : vector<512x512xi32> to vector<512x512xf32>
    %iota3A = tpu.iota {dimensions = array<i32: 0>} : vector<512x512xi32>
    %iota3A_18 = tpu.iota {dimensions = array<i32: 1>} : vector<512x512xi32>
    %iota3A_19 = tpu.iota {dimensions = array<i32: 1>} : vector<1x128xi32>
    %broadcast_in_dim3A = arith.constant 0.000000e+00 : f32
    %broadcast_in_dim3A_20 = vector.broadcast %broadcast_in_dim3A : f32 to vector<1x128xf32>
    %and3A = arith.constant 0 : i32
    %and3A_21 = vector.broadcast %and3A : i32 to vector<512x512xi32>
    %and3A_22 = arith.andi %iota3A, %and3A_21 : vector<512x512xi32>
    %eq3A = arith.constant 0 : i32
    %eq3A_23 = vector.broadcast %eq3A : i32 to vector<512x512xi32>
    %eq3A_24 = arith.cmpi eq, %and3A_22, %eq3A_23 : vector<512x512xi32>
    %convert_element_type3A_25 = arith.extui %eq3A_24 : vector<512x512xi1> to vector<512x512xi32>
    %convert_element_type3A_26 = arith.sitofp %convert_element_type3A_25 : vector<512x512xi32> to vector<512x512xf32>
    %and3A_27 = arith.constant 0 : i32
    %and3A_28 = vector.broadcast %and3A_27 : i32 to vector<512x512xi32>
    %and3A_29 = arith.andi %iota3A_18, %and3A_28 : vector<512x512xi32>
    %eq3A_30 = arith.constant 0 : i32
    %eq3A_31 = vector.broadcast %eq3A_30 : i32 to vector<512x512xi32>
    %eq3A_32 = arith.cmpi eq, %and3A_29, %eq3A_31 : vector<512x512xi32>
    %convert_element_type3A_33 = arith.extui %eq3A_32 : vector<512x512xi1> to vector<512x512xi32>
    %convert_element_type3A_34 = arith.sitofp %convert_element_type3A_33 : vector<512x512xi32> to vector<512x512xf32>
    %mul3A = arith.mulf %convert_element_type3A_26, %convert_element_type3A_34 : vector<512x512xf32>
    %slice3A = vector.extract_strided_slice %convert_element_type3A {offsets = [0, 1], sizes = [512, 511], strides = [1, 1]} : vector<512x512xf32> to vector<512x511xf32>
    %slice3A_35 = vector.extract_strided_slice %convert_element_type3A {offsets = [0, 0], sizes = [512, 511], strides = [1, 1]} : vector<512x512xf32> to vector<512x511xf32>
    %mul3A_36 = arith.mulf %slice3A, %slice3A_35 : vector<512x511xf32>
    %slice3A_37 = vector.extract_strided_slice %mul3A {offsets = [0, 0], sizes = [512, 511], strides = [1, 1]} : vector<512x512xf32> to vector<512x511xf32>
    %mul3A_38 = arith.mulf %mul3A_36, %slice3A_37 : vector<512x511xf32>
    %slice3A_39 = vector.extract_strided_slice %get3A_7 {offsets = [0, 1], sizes = [512, 511], strides = [1, 1]} : vector<512x512xf32> to vector<512x511xf32>
    %slice3A_40 = vector.extract_strided_slice %get3A_7 {offsets = [0, 0], sizes = [512, 511], strides = [1, 1]} : vector<512x512xf32> to vector<512x511xf32>
    %sub3A = arith.subf %slice3A_39, %slice3A_40 : vector<512x511xf32>
    %mul3A_41 = vector.broadcast %get3A_2 : f32 to vector<512x511xf32>
    %mul3A_42 = arith.mulf %mul3A_41, %sub3A : vector<512x511xf32>
    %slice3A_43 = vector.extract_strided_slice %get3A_12 {offsets = [0, 1], sizes = [512, 511], strides = [1, 1]} : vector<512x512xf32> to vector<512x511xf32>
    %slice3A_44 = vector.extract_strided_slice %get3A_12 {offsets = [0, 0], sizes = [512, 511], strides = [1, 1]} : vector<512x512xf32> to vector<512x511xf32>
    %sub3A_45 = arith.subf %slice3A_43, %slice3A_44 : vector<512x511xf32>
    %sub3A_46 = arith.subf %mul3A_42, %sub3A_45 : vector<512x511xf32>
    %abs3A = math.absf %sub3A_46 : vector<512x511xf32>
    %mul3A_47 = arith.mulf %abs3A, %mul3A_38 : vector<512x511xf32>
    %reduce_sum3A = vector.shape_cast %mul3A_47 : vector<512x511xf32> to vector<1x512x511xf32>
    %reduce_sum3A_48 = arith.constant dense<0.000000e+00> : vector<1xf32>
    %reduce_sum3A_49 = vector.multi_reduction <add>, %reduce_sum3A, %reduce_sum3A_48 [1, 2] : vector<1x512x511xf32> to vector<1xf32>
    %reduce_sum3A_50 = vector.shape_cast %reduce_sum3A_49 : vector<1xf32> to vector<1x1x1xf32>
    %reduce_sum3A_51 = vector.extract %reduce_sum3A_50[0, 0, 0] : f32 from vector<1x1x1xf32>
    %slice3A_52 = vector.extract_strided_slice %convert_element_type3A {offsets = [1, 0], sizes = [511, 512], strides = [1, 1]} : vector<512x512xf32> to vector<511x512xf32>
    %slice3A_53 = vector.extract_strided_slice %convert_element_type3A {offsets = [0, 0], sizes = [511, 512], strides = [1, 1]} : vector<512x512xf32> to vector<511x512xf32>
    %mul3A_54 = arith.mulf %slice3A_52, %slice3A_53 : vector<511x512xf32>
    %slice3A_55 = vector.extract_strided_slice %mul3A {offsets = [0, 0], sizes = [511, 512], strides = [1, 1]} : vector<512x512xf32> to vector<511x512xf32>
    %mul3A_56 = arith.mulf %mul3A_54, %slice3A_55 : vector<511x512xf32>
    %slice3A_57 = vector.extract_strided_slice %get3A_7 {offsets = [1, 0], sizes = [511, 512], strides = [1, 1]} : vector<512x512xf32> to vector<511x512xf32>
    %slice3A_58 = vector.extract_strided_slice %get3A_7 {offsets = [0, 0], sizes = [511, 512], strides = [1, 1]} : vector<512x512xf32> to vector<511x512xf32>
    %sub3A_59 = arith.subf %slice3A_57, %slice3A_58 : vector<511x512xf32>
    %mul3A_60 = vector.broadcast %get3A_2 : f32 to vector<511x512xf32>
    %mul3A_61 = arith.mulf %mul3A_60, %sub3A_59 : vector<511x512xf32>
    %slice3A_62 = vector.extract_strided_slice %get3A_12 {offsets = [1, 0], sizes = [511, 512], strides = [1, 1]} : vector<512x512xf32> to vector<511x512xf32>
    %slice3A_63 = vector.extract_strided_slice %get3A_12 {offsets = [0, 0], sizes = [511, 512], strides = [1, 1]} : vector<512x512xf32> to vector<511x512xf32>
    %sub3A_64 = arith.subf %slice3A_62, %slice3A_63 : vector<511x512xf32>
    %sub3A_65 = arith.subf %mul3A_61, %sub3A_64 : vector<511x512xf32>
    %abs3A_66 = math.absf %sub3A_65 : vector<511x512xf32>
    %mul3A_67 = arith.mulf %abs3A_66, %mul3A_56 : vector<511x512xf32>
    %reduce_sum3A_68 = vector.shape_cast %mul3A_67 : vector<511x512xf32> to vector<1x511x512xf32>
    %reduce_sum3A_69 = arith.constant dense<0.000000e+00> : vector<1xf32>
    %reduce_sum3A_70 = vector.multi_reduction <add>, %reduce_sum3A_68, %reduce_sum3A_69 [1, 2] : vector<1x511x512xf32> to vector<1xf32>
    %reduce_sum3A_71 = vector.shape_cast %reduce_sum3A_70 : vector<1xf32> to vector<1x1x1xf32>
    %reduce_sum3A_72 = vector.extract %reduce_sum3A_71[0, 0, 0] : f32 from vector<1x1x1xf32>
    %mul3A_73 = arith.mulf %convert_element_type3A, %mul3A : vector<512x512xf32>
    %reduce_sum3A_74 = vector.shape_cast %mul3A_73 : vector<512x512xf32> to vector<1x512x512xf32>
    %reduce_sum3A_75 = arith.constant dense<0.000000e+00> : vector<1xf32>
    %reduce_sum3A_76 = vector.multi_reduction <add>, %reduce_sum3A_74, %reduce_sum3A_75 [1, 2] : vector<1x512x512xf32> to vector<1xf32>
    %reduce_sum3A_77 = vector.shape_cast %reduce_sum3A_76 : vector<1xf32> to vector<1x1x1xf32>
    %reduce_sum3A_78 = vector.extract %reduce_sum3A_77[0, 0, 0] : f32 from vector<1x1x1xf32>
    %eq3A_79 = arith.constant 0 : i32
    %eq3A_80 = vector.broadcast %eq3A_79 : i32 to vector<1x128xi32>
    %eq3A_81 = arith.cmpi eq, %iota3A_19, %eq3A_80 : vector<1x128xi32>
    %add3A = arith.addf %reduce_sum3A_51, %reduce_sum3A_72 : f32
    %broadcast_in_dim3A_82 = vector.broadcast %add3A : f32 to vector<1x128xf32>
    %select_n3A = arith.select %eq3A_81, %broadcast_in_dim3A_82, %broadcast_in_dim3A_20 : vector<1x128xi1>, vector<1x128xf32>
    %eq3A_83 = arith.constant 4 : i32
    %eq3A_84 = vector.broadcast %eq3A_83 : i32 to vector<1x128xi32>
    %eq3A_85 = arith.cmpi eq, %iota3A_19, %eq3A_84 : vector<1x128xi32>
    %broadcast_in_dim3A_86 = vector.broadcast %reduce_sum3A_78 : f32 to vector<1x128xf32>
    %select_n3A_87 = arith.select %eq3A_85, %broadcast_in_dim3A_86, %select_n3A : vector<1x128xi1>, vector<1x128xf32>
    %and3A_88 = arith.constant 1 : i32
    %and3A_89 = vector.broadcast %and3A_88 : i32 to vector<512x512xi32>
    %and3A_90 = arith.andi %iota3A, %and3A_89 : vector<512x512xi32>
    %eq3A_91 = arith.constant 0 : i32
    %eq3A_92 = vector.broadcast %eq3A_91 : i32 to vector<512x512xi32>
    %eq3A_93 = arith.cmpi eq, %and3A_90, %eq3A_92 : vector<512x512xi32>
    %convert_element_type3A_94 = arith.extui %eq3A_93 : vector<512x512xi1> to vector<512x512xi32>
    %convert_element_type3A_95 = arith.sitofp %convert_element_type3A_94 : vector<512x512xi32> to vector<512x512xf32>
    %and3A_96 = arith.constant 1 : i32
    %and3A_97 = vector.broadcast %and3A_96 : i32 to vector<512x512xi32>
    %and3A_98 = arith.andi %iota3A_18, %and3A_97 : vector<512x512xi32>
    %eq3A_99 = arith.constant 0 : i32
    %eq3A_100 = vector.broadcast %eq3A_99 : i32 to vector<512x512xi32>
    %eq3A_101 = arith.cmpi eq, %and3A_98, %eq3A_100 : vector<512x512xi32>
    %convert_element_type3A_102 = arith.extui %eq3A_101 : vector<512x512xi1> to vector<512x512xi32>
    %convert_element_type3A_103 = arith.sitofp %convert_element_type3A_102 : vector<512x512xi32> to vector<512x512xf32>
    %mul3A_104 = arith.mulf %convert_element_type3A_95, %convert_element_type3A_103 : vector<512x512xf32>
    %slice3A_105 = vector.extract_strided_slice %convert_element_type3A {offsets = [0, 2], sizes = [512, 510], strides = [1, 1]} : vector<512x512xf32> to vector<512x510xf32>
    %slice3A_106 = vector.extract_strided_slice %convert_element_type3A {offsets = [0, 0], sizes = [512, 510], strides = [1, 1]} : vector<512x512xf32> to vector<512x510xf32>
    %mul3A_107 = arith.mulf %slice3A_105, %slice3A_106 : vector<512x510xf32>
    %slice3A_108 = vector.extract_strided_slice %mul3A_104 {offsets = [0, 0], sizes = [512, 510], strides = [1, 1]} : vector<512x512xf32> to vector<512x510xf32>
    %mul3A_109 = arith.mulf %mul3A_107, %slice3A_108 : vector<512x510xf32>
    %slice3A_110 = vector.extract_strided_slice %get3A_7 {offsets = [0, 2], sizes = [512, 510], strides = [1, 1]} : vector<512x512xf32> to vector<512x510xf32>
    %slice3A_111 = vector.extract_strided_slice %get3A_7 {offsets = [0, 0], sizes = [512, 510], strides = [1, 1]} : vector<512x512xf32> to vector<512x510xf32>
    %sub3A_112 = arith.subf %slice3A_110, %slice3A_111 : vector<512x510xf32>
    %mul3A_113 = vector.broadcast %get3A_2 : f32 to vector<512x510xf32>
    %mul3A_114 = arith.mulf %mul3A_113, %sub3A_112 : vector<512x510xf32>
    %slice3A_115 = vector.extract_strided_slice %get3A_12 {offsets = [0, 2], sizes = [512, 510], strides = [1, 1]} : vector<512x512xf32> to vector<512x510xf32>
    %slice3A_116 = vector.extract_strided_slice %get3A_12 {offsets = [0, 0], sizes = [512, 510], strides = [1, 1]} : vector<512x512xf32> to vector<512x510xf32>
    %sub3A_117 = arith.subf %slice3A_115, %slice3A_116 : vector<512x510xf32>
    %sub3A_118 = arith.subf %mul3A_114, %sub3A_117 : vector<512x510xf32>
    %abs3A_119 = math.absf %sub3A_118 : vector<512x510xf32>
    %mul3A_120 = arith.mulf %abs3A_119, %mul3A_109 : vector<512x510xf32>
    %reduce_sum3A_121 = vector.shape_cast %mul3A_120 : vector<512x510xf32> to vector<1x512x510xf32>
    %reduce_sum3A_122 = arith.constant dense<0.000000e+00> : vector<1xf32>
    %reduce_sum3A_123 = vector.multi_reduction <add>, %reduce_sum3A_121, %reduce_sum3A_122 [1, 2] : vector<1x512x510xf32> to vector<1xf32>
    %reduce_sum3A_124 = vector.shape_cast %reduce_sum3A_123 : vector<1xf32> to vector<1x1x1xf32>
    %reduce_sum3A_125 = vector.extract %reduce_sum3A_124[0, 0, 0] : f32 from vector<1x1x1xf32>
    %slice3A_126 = vector.extract_strided_slice %convert_element_type3A {offsets = [2, 0], sizes = [510, 512], strides = [1, 1]} : vector<512x512xf32> to vector<510x512xf32>
    %slice3A_127 = vector.extract_strided_slice %convert_element_type3A {offsets = [0, 0], sizes = [510, 512], strides = [1, 1]} : vector<512x512xf32> to vector<510x512xf32>
    %mul3A_128 = arith.mulf %slice3A_126, %slice3A_127 : vector<510x512xf32>
    %slice3A_129 = vector.extract_strided_slice %mul3A_104 {offsets = [0, 0], sizes = [510, 512], strides = [1, 1]} : vector<512x512xf32> to vector<510x512xf32>
    %mul3A_130 = arith.mulf %mul3A_128, %slice3A_129 : vector<510x512xf32>
    %slice3A_131 = vector.extract_strided_slice %get3A_7 {offsets = [2, 0], sizes = [510, 512], strides = [1, 1]} : vector<512x512xf32> to vector<510x512xf32>
    %slice3A_132 = vector.extract_strided_slice %get3A_7 {offsets = [0, 0], sizes = [510, 512], strides = [1, 1]} : vector<512x512xf32> to vector<510x512xf32>
    %sub3A_133 = arith.subf %slice3A_131, %slice3A_132 : vector<510x512xf32>
    %mul3A_134 = vector.broadcast %get3A_2 : f32 to vector<510x512xf32>
    %mul3A_135 = arith.mulf %mul3A_134, %sub3A_133 : vector<510x512xf32>
    %slice3A_136 = vector.extract_strided_slice %get3A_12 {offsets = [2, 0], sizes = [510, 512], strides = [1, 1]} : vector<512x512xf32> to vector<510x512xf32>
    %slice3A_137 = vector.extract_strided_slice %get3A_12 {offsets = [0, 0], sizes = [510, 512], strides = [1, 1]} : vector<512x512xf32> to vector<510x512xf32>
    %sub3A_138 = arith.subf %slice3A_136, %slice3A_137 : vector<510x512xf32>
    %sub3A_139 = arith.subf %mul3A_135, %sub3A_138 : vector<510x512xf32>
    %abs3A_140 = math.absf %sub3A_139 : vector<510x512xf32>
    %mul3A_141 = arith.mulf %abs3A_140, %mul3A_130 : vector<510x512xf32>
    %reduce_sum3A_142 = vector.shape_cast %mul3A_141 : vector<510x512xf32> to vector<1x510x512xf32>
    %reduce_sum3A_143 = arith.constant dense<0.000000e+00> : vector<1xf32>
    %reduce_sum3A_144 = vector.multi_reduction <add>, %reduce_sum3A_142, %reduce_sum3A_143 [1, 2] : vector<1x510x512xf32> to vector<1xf32>
    %reduce_sum3A_145 = vector.shape_cast %reduce_sum3A_144 : vector<1xf32> to vector<1x1x1xf32>
    %reduce_sum3A_146 = vector.extract %reduce_sum3A_145[0, 0, 0] : f32 from vector<1x1x1xf32>
    %mul3A_147 = arith.mulf %convert_element_type3A, %mul3A_104 : vector<512x512xf32>
    %reduce_sum3A_148 = vector.shape_cast %mul3A_147 : vector<512x512xf32> to vector<1x512x512xf32>
    %reduce_sum3A_149 = arith.constant dense<0.000000e+00> : vector<1xf32>
    %reduce_sum3A_150 = vector.multi_reduction <add>, %reduce_sum3A_148, %reduce_sum3A_149 [1, 2] : vector<1x512x512xf32> to vector<1xf32>
    %reduce_sum3A_151 = vector.shape_cast %reduce_sum3A_150 : vector<1xf32> to vector<1x1x1xf32>
    %reduce_sum3A_152 = vector.extract %reduce_sum3A_151[0, 0, 0] : f32 from vector<1x1x1xf32>
    %eq3A_153 = arith.constant 1 : i32
    %eq3A_154 = vector.broadcast %eq3A_153 : i32 to vector<1x128xi32>
    %eq3A_155 = arith.cmpi eq, %iota3A_19, %eq3A_154 : vector<1x128xi32>
    %add3A_156 = arith.addf %reduce_sum3A_125, %reduce_sum3A_146 : f32
    %broadcast_in_dim3A_157 = vector.broadcast %add3A_156 : f32 to vector<1x128xf32>
    %select_n3A_158 = arith.select %eq3A_155, %broadcast_in_dim3A_157, %select_n3A_87 : vector<1x128xi1>, vector<1x128xf32>
    %eq3A_159 = arith.constant 5 : i32
    %eq3A_160 = vector.broadcast %eq3A_159 : i32 to vector<1x128xi32>
    %eq3A_161 = arith.cmpi eq, %iota3A_19, %eq3A_160 : vector<1x128xi32>
    %broadcast_in_dim3A_162 = vector.broadcast %reduce_sum3A_152 : f32 to vector<1x128xf32>
    %select_n3A_163 = arith.select %eq3A_161, %broadcast_in_dim3A_162, %select_n3A_158 : vector<1x128xi1>, vector<1x128xf32>
    %and3A_164 = arith.constant 3 : i32
    %and3A_165 = vector.broadcast %and3A_164 : i32 to vector<512x512xi32>
    %and3A_166 = arith.andi %iota3A, %and3A_165 : vector<512x512xi32>
    %eq3A_167 = arith.constant 0 : i32
    %eq3A_168 = vector.broadcast %eq3A_167 : i32 to vector<512x512xi32>
    %eq3A_169 = arith.cmpi eq, %and3A_166, %eq3A_168 : vector<512x512xi32>
    %convert_element_type3A_170 = arith.extui %eq3A_169 : vector<512x512xi1> to vector<512x512xi32>
    %convert_element_type3A_171 = arith.sitofp %convert_element_type3A_170 : vector<512x512xi32> to vector<512x512xf32>
    %and3A_172 = arith.constant 3 : i32
    %and3A_173 = vector.broadcast %and3A_172 : i32 to vector<512x512xi32>
    %and3A_174 = arith.andi %iota3A_18, %and3A_173 : vector<512x512xi32>
    %eq3A_175 = arith.constant 0 : i32
    %eq3A_176 = vector.broadcast %eq3A_175 : i32 to vector<512x512xi32>
    %eq3A_177 = arith.cmpi eq, %and3A_174, %eq3A_176 : vector<512x512xi32>
    %convert_element_type3A_178 = arith.extui %eq3A_177 : vector<512x512xi1> to vector<512x512xi32>
    %convert_element_type3A_179 = arith.sitofp %convert_element_type3A_178 : vector<512x512xi32> to vector<512x512xf32>
    %mul3A_180 = arith.mulf %convert_element_type3A_171, %convert_element_type3A_179 : vector<512x512xf32>
    %slice3A_181 = vector.extract_strided_slice %convert_element_type3A {offsets = [0, 4], sizes = [512, 508], strides = [1, 1]} : vector<512x512xf32> to vector<512x508xf32>
    %slice3A_182 = vector.extract_strided_slice %convert_element_type3A {offsets = [0, 0], sizes = [512, 508], strides = [1, 1]} : vector<512x512xf32> to vector<512x508xf32>
    %mul3A_183 = arith.mulf %slice3A_181, %slice3A_182 : vector<512x508xf32>
    %slice3A_184 = vector.extract_strided_slice %mul3A_180 {offsets = [0, 0], sizes = [512, 508], strides = [1, 1]} : vector<512x512xf32> to vector<512x508xf32>
    %mul3A_185 = arith.mulf %mul3A_183, %slice3A_184 : vector<512x508xf32>
    %slice3A_186 = vector.extract_strided_slice %get3A_7 {offsets = [0, 4], sizes = [512, 508], strides = [1, 1]} : vector<512x512xf32> to vector<512x508xf32>
    %slice3A_187 = vector.extract_strided_slice %get3A_7 {offsets = [0, 0], sizes = [512, 508], strides = [1, 1]} : vector<512x512xf32> to vector<512x508xf32>
    %sub3A_188 = arith.subf %slice3A_186, %slice3A_187 : vector<512x508xf32>
    %mul3A_189 = vector.broadcast %get3A_2 : f32 to vector<512x508xf32>
    %mul3A_190 = arith.mulf %mul3A_189, %sub3A_188 : vector<512x508xf32>
    %slice3A_191 = vector.extract_strided_slice %get3A_12 {offsets = [0, 4], sizes = [512, 508], strides = [1, 1]} : vector<512x512xf32> to vector<512x508xf32>
    %slice3A_192 = vector.extract_strided_slice %get3A_12 {offsets = [0, 0], sizes = [512, 508], strides = [1, 1]} : vector<512x512xf32> to vector<512x508xf32>
    %sub3A_193 = arith.subf %slice3A_191, %slice3A_192 : vector<512x508xf32>
    %sub3A_194 = arith.subf %mul3A_190, %sub3A_193 : vector<512x508xf32>
    %abs3A_195 = math.absf %sub3A_194 : vector<512x508xf32>
    %mul3A_196 = arith.mulf %abs3A_195, %mul3A_185 : vector<512x508xf32>
    %reduce_sum3A_197 = vector.shape_cast %mul3A_196 : vector<512x508xf32> to vector<1x512x508xf32>
    %reduce_sum3A_198 = arith.constant dense<0.000000e+00> : vector<1xf32>
    %reduce_sum3A_199 = vector.multi_reduction <add>, %reduce_sum3A_197, %reduce_sum3A_198 [1, 2] : vector<1x512x508xf32> to vector<1xf32>
    %reduce_sum3A_200 = vector.shape_cast %reduce_sum3A_199 : vector<1xf32> to vector<1x1x1xf32>
    %reduce_sum3A_201 = vector.extract %reduce_sum3A_200[0, 0, 0] : f32 from vector<1x1x1xf32>
    %slice3A_202 = vector.extract_strided_slice %convert_element_type3A {offsets = [4, 0], sizes = [508, 512], strides = [1, 1]} : vector<512x512xf32> to vector<508x512xf32>
    %slice3A_203 = vector.extract_strided_slice %convert_element_type3A {offsets = [0, 0], sizes = [508, 512], strides = [1, 1]} : vector<512x512xf32> to vector<508x512xf32>
    %mul3A_204 = arith.mulf %slice3A_202, %slice3A_203 : vector<508x512xf32>
    %slice3A_205 = vector.extract_strided_slice %mul3A_180 {offsets = [0, 0], sizes = [508, 512], strides = [1, 1]} : vector<512x512xf32> to vector<508x512xf32>
    %mul3A_206 = arith.mulf %mul3A_204, %slice3A_205 : vector<508x512xf32>
    %slice3A_207 = vector.extract_strided_slice %get3A_7 {offsets = [4, 0], sizes = [508, 512], strides = [1, 1]} : vector<512x512xf32> to vector<508x512xf32>
    %slice3A_208 = vector.extract_strided_slice %get3A_7 {offsets = [0, 0], sizes = [508, 512], strides = [1, 1]} : vector<512x512xf32> to vector<508x512xf32>
    %sub3A_209 = arith.subf %slice3A_207, %slice3A_208 : vector<508x512xf32>
    %mul3A_210 = vector.broadcast %get3A_2 : f32 to vector<508x512xf32>
    %mul3A_211 = arith.mulf %mul3A_210, %sub3A_209 : vector<508x512xf32>
    %slice3A_212 = vector.extract_strided_slice %get3A_12 {offsets = [4, 0], sizes = [508, 512], strides = [1, 1]} : vector<512x512xf32> to vector<508x512xf32>
    %slice3A_213 = vector.extract_strided_slice %get3A_12 {offsets = [0, 0], sizes = [508, 512], strides = [1, 1]} : vector<512x512xf32> to vector<508x512xf32>
    %sub3A_214 = arith.subf %slice3A_212, %slice3A_213 : vector<508x512xf32>
    %sub3A_215 = arith.subf %mul3A_211, %sub3A_214 : vector<508x512xf32>
    %abs3A_216 = math.absf %sub3A_215 : vector<508x512xf32>
    %mul3A_217 = arith.mulf %abs3A_216, %mul3A_206 : vector<508x512xf32>
    %reduce_sum3A_218 = vector.shape_cast %mul3A_217 : vector<508x512xf32> to vector<1x508x512xf32>
    %reduce_sum3A_219 = arith.constant dense<0.000000e+00> : vector<1xf32>
    %reduce_sum3A_220 = vector.multi_reduction <add>, %reduce_sum3A_218, %reduce_sum3A_219 [1, 2] : vector<1x508x512xf32> to vector<1xf32>
    %reduce_sum3A_221 = vector.shape_cast %reduce_sum3A_220 : vector<1xf32> to vector<1x1x1xf32>
    %reduce_sum3A_222 = vector.extract %reduce_sum3A_221[0, 0, 0] : f32 from vector<1x1x1xf32>
    %mul3A_223 = arith.mulf %convert_element_type3A, %mul3A_180 : vector<512x512xf32>
    %reduce_sum3A_224 = vector.shape_cast %mul3A_223 : vector<512x512xf32> to vector<1x512x512xf32>
    %reduce_sum3A_225 = arith.constant dense<0.000000e+00> : vector<1xf32>
    %reduce_sum3A_226 = vector.multi_reduction <add>, %reduce_sum3A_224, %reduce_sum3A_225 [1, 2] : vector<1x512x512xf32> to vector<1xf32>
    %reduce_sum3A_227 = vector.shape_cast %reduce_sum3A_226 : vector<1xf32> to vector<1x1x1xf32>
    %reduce_sum3A_228 = vector.extract %reduce_sum3A_227[0, 0, 0] : f32 from vector<1x1x1xf32>
    %eq3A_229 = arith.constant 2 : i32
    %eq3A_230 = vector.broadcast %eq3A_229 : i32 to vector<1x128xi32>
    %eq3A_231 = arith.cmpi eq, %iota3A_19, %eq3A_230 : vector<1x128xi32>
    %add3A_232 = arith.addf %reduce_sum3A_201, %reduce_sum3A_222 : f32
    %broadcast_in_dim3A_233 = vector.broadcast %add3A_232 : f32 to vector<1x128xf32>
    %select_n3A_234 = arith.select %eq3A_231, %broadcast_in_dim3A_233, %select_n3A_163 : vector<1x128xi1>, vector<1x128xf32>
    %eq3A_235 = arith.constant 6 : i32
    %eq3A_236 = vector.broadcast %eq3A_235 : i32 to vector<1x128xi32>
    %eq3A_237 = arith.cmpi eq, %iota3A_19, %eq3A_236 : vector<1x128xi32>
    %broadcast_in_dim3A_238 = vector.broadcast %reduce_sum3A_228 : f32 to vector<1x128xf32>
    %select_n3A_239 = arith.select %eq3A_237, %broadcast_in_dim3A_238, %select_n3A_234 : vector<1x128xi1>, vector<1x128xf32>
    %and3A_240 = arith.constant 7 : i32
    %and3A_241 = vector.broadcast %and3A_240 : i32 to vector<512x512xi32>
    %and3A_242 = arith.andi %iota3A, %and3A_241 : vector<512x512xi32>
    %eq3A_243 = arith.constant 0 : i32
    %eq3A_244 = vector.broadcast %eq3A_243 : i32 to vector<512x512xi32>
    %eq3A_245 = arith.cmpi eq, %and3A_242, %eq3A_244 : vector<512x512xi32>
    %convert_element_type3A_246 = arith.extui %eq3A_245 : vector<512x512xi1> to vector<512x512xi32>
    %convert_element_type3A_247 = arith.sitofp %convert_element_type3A_246 : vector<512x512xi32> to vector<512x512xf32>
    %and3A_248 = arith.constant 7 : i32
    %and3A_249 = vector.broadcast %and3A_248 : i32 to vector<512x512xi32>
    %and3A_250 = arith.andi %iota3A_18, %and3A_249 : vector<512x512xi32>
    %eq3A_251 = arith.constant 0 : i32
    %eq3A_252 = vector.broadcast %eq3A_251 : i32 to vector<512x512xi32>
    %eq3A_253 = arith.cmpi eq, %and3A_250, %eq3A_252 : vector<512x512xi32>
    %convert_element_type3A_254 = arith.extui %eq3A_253 : vector<512x512xi1> to vector<512x512xi32>
    %convert_element_type3A_255 = arith.sitofp %convert_element_type3A_254 : vector<512x512xi32> to vector<512x512xf32>
    %mul3A_256 = arith.mulf %convert_element_type3A_247, %convert_element_type3A_255 : vector<512x512xf32>
    %slice3A_257 = vector.extract_strided_slice %convert_element_type3A {offsets = [0, 8], sizes = [512, 504], strides = [1, 1]} : vector<512x512xf32> to vector<512x504xf32>
    %slice3A_258 = vector.extract_strided_slice %convert_element_type3A {offsets = [0, 0], sizes = [512, 504], strides = [1, 1]} : vector<512x512xf32> to vector<512x504xf32>
    %mul3A_259 = arith.mulf %slice3A_257, %slice3A_258 : vector<512x504xf32>
    %slice3A_260 = vector.extract_strided_slice %mul3A_256 {offsets = [0, 0], sizes = [512, 504], strides = [1, 1]} : vector<512x512xf32> to vector<512x504xf32>
    %mul3A_261 = arith.mulf %mul3A_259, %slice3A_260 : vector<512x504xf32>
    %slice3A_262 = vector.extract_strided_slice %get3A_7 {offsets = [0, 8], sizes = [512, 504], strides = [1, 1]} : vector<512x512xf32> to vector<512x504xf32>
    %slice3A_263 = vector.extract_strided_slice %get3A_7 {offsets = [0, 0], sizes = [512, 504], strides = [1, 1]} : vector<512x512xf32> to vector<512x504xf32>
    %sub3A_264 = arith.subf %slice3A_262, %slice3A_263 : vector<512x504xf32>
    %mul3A_265 = vector.broadcast %get3A_2 : f32 to vector<512x504xf32>
    %mul3A_266 = arith.mulf %mul3A_265, %sub3A_264 : vector<512x504xf32>
    %slice3A_267 = vector.extract_strided_slice %get3A_12 {offsets = [0, 8], sizes = [512, 504], strides = [1, 1]} : vector<512x512xf32> to vector<512x504xf32>
    %slice3A_268 = vector.extract_strided_slice %get3A_12 {offsets = [0, 0], sizes = [512, 504], strides = [1, 1]} : vector<512x512xf32> to vector<512x504xf32>
    %sub3A_269 = arith.subf %slice3A_267, %slice3A_268 : vector<512x504xf32>
    %sub3A_270 = arith.subf %mul3A_266, %sub3A_269 : vector<512x504xf32>
    %abs3A_271 = math.absf %sub3A_270 : vector<512x504xf32>
    %mul3A_272 = arith.mulf %abs3A_271, %mul3A_261 : vector<512x504xf32>
    %reduce_sum3A_273 = vector.shape_cast %mul3A_272 : vector<512x504xf32> to vector<1x512x504xf32>
    %reduce_sum3A_274 = arith.constant dense<0.000000e+00> : vector<1xf32>
    %reduce_sum3A_275 = vector.multi_reduction <add>, %reduce_sum3A_273, %reduce_sum3A_274 [1, 2] : vector<1x512x504xf32> to vector<1xf32>
    %reduce_sum3A_276 = vector.shape_cast %reduce_sum3A_275 : vector<1xf32> to vector<1x1x1xf32>
    %reduce_sum3A_277 = vector.extract %reduce_sum3A_276[0, 0, 0] : f32 from vector<1x1x1xf32>
    %slice3A_278 = vector.extract_strided_slice %convert_element_type3A {offsets = [8, 0], sizes = [504, 512], strides = [1, 1]} : vector<512x512xf32> to vector<504x512xf32>
    %slice3A_279 = vector.extract_strided_slice %convert_element_type3A {offsets = [0, 0], sizes = [504, 512], strides = [1, 1]} : vector<512x512xf32> to vector<504x512xf32>
    %mul3A_280 = arith.mulf %slice3A_278, %slice3A_279 : vector<504x512xf32>
    %slice3A_281 = vector.extract_strided_slice %mul3A_256 {offsets = [0, 0], sizes = [504, 512], strides = [1, 1]} : vector<512x512xf32> to vector<504x512xf32>
    %mul3A_282 = arith.mulf %mul3A_280, %slice3A_281 : vector<504x512xf32>
    %slice3A_283 = vector.extract_strided_slice %get3A_7 {offsets = [8, 0], sizes = [504, 512], strides = [1, 1]} : vector<512x512xf32> to vector<504x512xf32>
    %slice3A_284 = vector.extract_strided_slice %get3A_7 {offsets = [0, 0], sizes = [504, 512], strides = [1, 1]} : vector<512x512xf32> to vector<504x512xf32>
    %sub3A_285 = arith.subf %slice3A_283, %slice3A_284 : vector<504x512xf32>
    %mul3A_286 = vector.broadcast %get3A_2 : f32 to vector<504x512xf32>
    %mul3A_287 = arith.mulf %mul3A_286, %sub3A_285 : vector<504x512xf32>
    %slice3A_288 = vector.extract_strided_slice %get3A_12 {offsets = [8, 0], sizes = [504, 512], strides = [1, 1]} : vector<512x512xf32> to vector<504x512xf32>
    %slice3A_289 = vector.extract_strided_slice %get3A_12 {offsets = [0, 0], sizes = [504, 512], strides = [1, 1]} : vector<512x512xf32> to vector<504x512xf32>
    %sub3A_290 = arith.subf %slice3A_288, %slice3A_289 : vector<504x512xf32>
    %sub3A_291 = arith.subf %mul3A_287, %sub3A_290 : vector<504x512xf32>
    %abs3A_292 = math.absf %sub3A_291 : vector<504x512xf32>
    %mul3A_293 = arith.mulf %abs3A_292, %mul3A_282 : vector<504x512xf32>
    %reduce_sum3A_294 = vector.shape_cast %mul3A_293 : vector<504x512xf32> to vector<1x504x512xf32>
    %reduce_sum3A_295 = arith.constant dense<0.000000e+00> : vector<1xf32>
    %reduce_sum3A_296 = vector.multi_reduction <add>, %reduce_sum3A_294, %reduce_sum3A_295 [1, 2] : vector<1x504x512xf32> to vector<1xf32>
    %reduce_sum3A_297 = vector.shape_cast %reduce_sum3A_296 : vector<1xf32> to vector<1x1x1xf32>
    %reduce_sum3A_298 = vector.extract %reduce_sum3A_297[0, 0, 0] : f32 from vector<1x1x1xf32>
    %mul3A_299 = arith.mulf %convert_element_type3A, %mul3A_256 : vector<512x512xf32>
    %reduce_sum3A_300 = vector.shape_cast %mul3A_299 : vector<512x512xf32> to vector<1x512x512xf32>
    %reduce_sum3A_301 = arith.constant dense<0.000000e+00> : vector<1xf32>
    %reduce_sum3A_302 = vector.multi_reduction <add>, %reduce_sum3A_300, %reduce_sum3A_301 [1, 2] : vector<1x512x512xf32> to vector<1xf32>
    %reduce_sum3A_303 = vector.shape_cast %reduce_sum3A_302 : vector<1xf32> to vector<1x1x1xf32>
    %reduce_sum3A_304 = vector.extract %reduce_sum3A_303[0, 0, 0] : f32 from vector<1x1x1xf32>
    %eq3A_305 = arith.constant 3 : i32
    %eq3A_306 = vector.broadcast %eq3A_305 : i32 to vector<1x128xi32>
    %eq3A_307 = arith.cmpi eq, %iota3A_19, %eq3A_306 : vector<1x128xi32>
    %add3A_308 = arith.addf %reduce_sum3A_277, %reduce_sum3A_298 : f32
    %broadcast_in_dim3A_309 = vector.broadcast %add3A_308 : f32 to vector<1x128xf32>
    %select_n3A_310 = arith.select %eq3A_307, %broadcast_in_dim3A_309, %select_n3A_239 : vector<1x128xi1>, vector<1x128xf32>
    %eq3A_311 = arith.constant 7 : i32
    %eq3A_312 = vector.broadcast %eq3A_311 : i32 to vector<1x128xi32>
    %eq3A_313 = arith.cmpi eq, %iota3A_19, %eq3A_312 : vector<1x128xi32>
    %broadcast_in_dim3A_314 = vector.broadcast %reduce_sum3A_304 : f32 to vector<1x128xf32>
    %select_n3A_315 = arith.select %eq3A_313, %broadcast_in_dim3A_314, %select_n3A_310 : vector<1x128xi1>, vector<1x128xf32>
    %swap3A = arith.constant 0 : index
    %swap3A_316 = arith.constant 0 : index
    %swap3A_317 = arith.constant 0 : index
    %swap3A_318 = vector.load %arg5[%swap3A, %swap3A_316, %swap3A_317] : memref<1x1x128xf32, #tpu.memory_space<vmem>>, vector<1x1x128xf32>
    %swap3A_319 = vector.shape_cast %swap3A_318 : vector<1x1x128xf32> to vector<1x128xf32>
    %swap3A_320 = vector.shape_cast %select_n3A_315 : vector<1x128xf32> to vector<1x1x128xf32>
    tpu.vector_store %arg5[%swap3A, %swap3A_316, %swap3A_317], %swap3A_320 {strides = array<i32>} : memref<1x1x128xf32, #tpu.memory_space<vmem>>, vector<1x1x128xf32>,
    return
  }
  func.func @transform_0(%arg0: i32) -> (i32, i32, i32) {
    %c0_i32 = arith.constant 0 : i32
    %c0_i32_0 = arith.constant 0 : i32
    %c0_i32_1 = arith.constant 0 : i32
    return %arg0, %c0_i32, %c0_i32_0 : i32, i32, i32
  }
  func.func @transform_1(%arg0: i32) -> (i32, i32, i32) {
    %c0_i32 = arith.constant 0 : i32
    %c0_i32_0 = arith.constant 0 : i32
    %c0_i32_1 = arith.constant 0 : i32
    return %arg0, %c0_i32, %c0_i32_0 : i32, i32, i32
  }
  func.func @transform_2(%arg0: i32) -> (i32, i32, i32) {
    %c0_i32 = arith.constant 0 : i32
    %c0_i32_0 = arith.constant 0 : i32
    %c0_i32_1 = arith.constant 0 : i32
    return %arg0, %c0_i32, %c0_i32_0 : i32, i32, i32
  }
  func.func @transform_3(%arg0: i32) -> (i32, i32, i32) {
    %c0_i32 = arith.constant 0 : i32
    %c0_i32_0 = arith.constant 0 : i32
    %c0_i32_1 = arith.constant 0 : i32
    return %arg0, %c0_i32, %c0_i32_0 : i32, i32, i32
  }
  func.func @transform_4(%arg0: i32) -> (i32, i32, i32) {
    %c0_i32 = arith.constant 0 : i32
    %c0_i32_0 = arith.constant 0 : i32
    %c0_i32_1 = arith.constant 0 : i32
    return %arg0, %c0_i32, %c0_i32_0 : i32, i32, i32
  }
}

</mosaic_0001>

<sc_bundles>
// kernel: kernel.5.cloned.1.call-start
scs
__scs_entry_jumppad:
0x0: {  	(pc) =	sbr.rel $0x88, $3  }
0x1: {  	(tag) =	ssettag $0x0;
	lr =	simm.s32 $0x1  }
0x2: {  	[smem:$0x3F9E] =	sst lr;
	_ =	strace $0xD0000000  }
0x3: {  	_ = 	snop  }
0x4: {  	_ = 	snop  }
0x5: {  	_ = 	snop  }
0x6: {  	_ = 	snop  }
0x7: {  	_ = 	snop  }
__scs_overlays_trampoline_lowered:
0x8: {  	[smem:$0x3FAD] =	sst s0  }
0x9: {  	[smem:$0x3FAE] =	sst s1  }
0xa: {  	[smem:$0x3FAF] =	sst s2  }
0xb: {  	[smem:$0x3FB0] =	sst s3  }
0xc: {  	[smem:$0x3FB1] =	sst s4  }
0xd: {  	[smem:$0x3FB2] =	sst s5  }
0xe: {  	[smem:$0x3FB3] =	sst s6  }
0xf: {  	[smem:$0x3FB4] =	sst s7  }
0x10: {  	[smem:$0x3FB5] =	sst s8  }
0x11: {  	[smem:$0x3FB6] =	sst s9;
	s0 =	simm.s32 @!p0 $0x0  }
0x12: {  	s1 =	sld [smem:$0x3F9C];
	s0 =	simm.s32 @p0 $0x1  }
0x13: {  	[smem:$0x3FB7] =	sst s0;
	s0 =	simm.s32 @!p1 $0x0  }
0x14: {  	s2 =	sld [smem:$0x3F9B];
	s0 =	simm.s32 @p1 $0x1  }
0x15: {  	[smem:$0x3FB8] =	sst s0;
	s0 =	simm.s32 @!p2 $0x0  }
0x16: {  	s3 =	sld [smem:$0x3FDB];
	s0 =	simm.s32 @p2 $0x1  }
0x17: {  	s4 =	simm.s32 $0x1BF5;
	[smem:$0x3FBA] =	sst s0  }
0x18: {  	s0 =	sld [smem:$0x3F9D];
	_ =	swait.ge [sflag:s4], $0x0  }
0x19: {  	s7 =	sld [smem:$0x3F9E]  }
0x1a: {  	s8 =	sadd.s32 $0xFFFFE003, lr  }
0x1b: {  	s9 =	sadd.s32 $0xFFFFFEF7, lr;
	s5 =	simm.s32 $0xFFFFFFFF;
	p2 =	slt.u32 s8, $0xFFFFF086  }
0x1c: {  	p1 =	slt.u32 s9, $0xF7A;
	s5 =	simm.s32 @!p2 $0x0  }
0x1d: {  	s5 =	simm.s32 @p1 $0x1;
	p0 =	seq.s32 s7, s2  }
0x1e: {  	s7 =	smul.u32 @!p0 $0xF7A, s2;
	p2 =	seq.s32 @!p0 s5, $0x0  }
0x1f: {  	s9 =	smul.u32 $0xF7A, s1;
	s8 =	simm.s32 @!p0 $0x1BF5;
	p2 =	por !p2, p0  }
0x20: {  	[sflag:s8] =	ssyncset.s32 @!p0 $0xFFFFF086;
	s6 =	sadd.s32 @!p0 s3, s7;
	s7 =	simm.s32 @!p0 $0x108  }
0x21: {  	s3 =	sadd.s32 s3, s9;
	s6 =	sadd.s32 @!p0 $0x88, s6;
	s7 =	simm.s32 @p2 $0x1082  }
0x22: {  	[simem:s7], [sflag:s8] =	dma.local @!p0 [hbm:s6], $0xF7A  }
0x23: {  	s9 =	sor.u32 $0xD0000000, s2;
	s6 =	simm.s32 $0x108;
	_ =	swait.ge @!p0 [sflag:s8], $0x0  }
0x24: {  	s3 =	sadd.s32 $0x88, s3;
	s6 =	simm.s32 @!p1 $0x1082;
	[sflag:s4] =	ssyncset.s32 $0xFFFFF086  }
0x25: {  	[simem:s6], [sflag:s4] =	dma.local [hbm:s3], $0xF7A  }
0x26: {  	[smem:$0x3F9E] =	sst s1;
	(tag) =	ssettag s2;
	_ =	strace s9  }
0x27: {  	s1 =	sld [smem:$0x3FAE]  }
0x28: {  	s2 =	sld [smem:$0x3FAF]  }
0x29: {  	s4 =	sld [smem:$0x3FB1]  }
0x2a: {  	p0 =	seq.s32 s5, $0x0;
	s5 =	sld [smem:$0x3FB2]  }
0x2b: {  	s6 =	sld [smem:$0x3FB3]  }
0x2c: {  	s7 =	sld [smem:$0x3FB4]  }
0x2d: {  	s3 =	simm.s32 $0x108;
	s8 =	sld [smem:$0x3FB5]  }
0x2e: {  	s3 =	simm.s32 @!p0 $0x1082;
	s9 =	sld [smem:$0x3FB6]  }
0x2f: {  	lr =	sadd.s32 s0, s3;
	s0 =	sld [smem:$0x3FAD]  }
0x30: {  	s3 =	sld [smem:$0x3FB0]  }
0x31: {  	[smem:$0x3FB9] =	sst s10  }
0x32: {  	s10 =	sld [smem:$0x3FB7];
	_ =	sdelay $0x3  }
0x33: {  	p0 =	seq.s32 s10, $0x1;
	s10 =	sld [smem:$0x3FB9];
	_ =	sdelay $0x3  }
0x34: {  	[smem:$0x3FB9] =	sst s10  }
0x35: {  	s10 =	sld [smem:$0x3FB8];
	_ =	sdelay $0x3  }
0x36: {  	p1 =	seq.s32 s10, $0x1;
	s10 =	sld [smem:$0x3FB9];
	_ =	sdelay $0x3  }
0x37: {  	[smem:$0x3FB9] =	sst s10  }
0x38: {  	s10 =	sld [smem:$0x3FBA]  }
0x39: {  	_ = 	snop;
	(pc) =	sbr.ind lr, $3  }
0x3a: {  	_ = 	snop  }
0x3b: {  	_ = 	snop  }
0x3c: {  	p2 =	seq.s32 s10, $0x1;
	s10 =	sld [smem:$0x3FB9]  }
0x3d: {  	_ =	shalt  }
0x3e: {  	_ =	shalt  }
0x3f: {  	_ =	shalt  }
0x40: {  	_ =	shalt  }
0x41: {  	_ =	shalt  }
0x42: {  	_ =	shalt  }
0x43: {  	_ =	shalt  }
0x44: {  	_ =	shalt  }
0x45: {  	_ =	shalt  }
0x46: {  	_ =	shalt  }
0x47: {  	_ =	shalt  }
0x48: {  	_ =	shalt  }
0x49: {  	_ =	shalt  }
0x4a: {  	_ =	shalt  }
0x4b: {  	_ =	shalt  }
0x4c: {  	_ =	shalt  }
0x4d: {  	_ =	shalt  }
0x4e: {  	_ =	shalt  }
0x4f: {  	_ =	shalt  }
0x50: {  	_ =	shalt  }
0x51: {  	_ =	shalt  }
0x52: {  	_ =	shalt  }
0x53: {  	_ =	shalt  }
0x54: {  	_ =	shalt  }
0x55: {  	_ =	shalt  }
0x56: {  	_ =	shalt  }
0x57: {  	_ =	shalt  }
0x58: {  	_ =	shalt  }
0x59: {  	_ =	shalt  }
0x5a: {  	_ =	shalt  }
0x5b: {  	_ =	shalt  }
0x5c: {  	_ =	shalt  }
0x5d: {  	_ =	shalt  }
0x5e: {  	_ =	shalt  }
0x5f: {  	_ =	shalt  }
0x60: {  	_ =	shalt  }
0x61: {  	_ =	shalt  }
0x62: {  	_ =	shalt  }
0x63: {  	_ =	shalt  }
0x64: {  	_ =	shalt  }
0x65: {  	_ =	shalt  }
0x66: {  	_ =	shalt  }
0x67: {  	_ =	shalt  }
0x68: {  	_ =	shalt  }
0x69: {  	_ =	shalt  }
0x6a: {  	_ =	shalt  }
0x6b: {  	_ =	shalt  }
0x6c: {  	_ =	shalt  }
0x6d: {  	_ =	shalt  }
0x6e: {  	_ =	shalt  }
0x6f: {  	_ =	shalt  }
0x70: {  	_ =	shalt  }
0x71: {  	_ =	shalt  }
0x72: {  	_ =	shalt  }
0x73: {  	_ =	shalt  }
0x74: {  	_ =	shalt  }
0x75: {  	_ =	shalt  }
0x76: {  	_ =	shalt  }
0x77: {  	_ =	shalt  }
0x78: {  	_ =	shalt  }
0x79: {  	_ =	shalt  }
0x7a: {  	_ =	shalt  }
0x7b: {  	_ =	shalt  }
0x7c: {  	_ =	shalt  }
0x7d: {  	_ =	shalt  }
0x7e: {  	_ =	shalt  }
0x7f: {  	_ =	shalt  }
0x80: {  	_ =	shalt  }
0x81: {  	_ =	shalt  }
0x82: {  	_ =	shalt  }
0x83: {  	_ =	shalt  }
0x84: {  	_ =	shalt  }
0x85: {  	_ =	shalt  }
0x86: {  	_ =	shalt  }
0x87: {  	_ =	shalt  }
.Lfunc_end0:
.L_simem_size_0:
called_computation.3_lowered:
.L_overlay_start_0:
0x88: {  	s2 =	sld [smem:$0x3FD9]  }
0x89: {  	s3 =	sld [smem:$0x3FFE];
	_ =	sdelay $0x1  }
0x8a: {  	s1 =	srdreg.scid  }
0x8b: {  	s0 =	sand.u32 $0x1, s1  }
0x8c: {  	s16 =	sshll.u32 s0, $0xA;
	s2 =	sadd.s32 s3, s2  }
0x8d: {  	s2 =	sadd.s32 s2, s16  }
0x8e: {  	[smem:$0x3FC5] =	sst s2  }
0x8f: {  	_ = 	snop  }
0x90: {  	(tm) =	ssettm $0x1  }
0x91: {  	s17 =	sld [smem:$0x3FFB];
	_ =	sdelay $0x3  }
0x92: {  	_ =	strace s17  }
0x93: {  	s2 =	sld [smem:$0x3FFC];
	_ =	sdelay $0x3  }
0x94: {  	_ =	strace s2  }
0x95: {  	s2 =	sld [smem:$0x3FFD];
	_ =	sdelay $0x3  }
0x96: {  	_ =	strace s2  }
0x97: {  	_ =	strace $0x8FFFFFFF  }
0x98: {  	s18 =	sld [smem:$0x3FDB];
	_ =	sdelay $0x1  }
0x99: {  	s19 =	simm.s32 $_scs_section_size  }
0x9a: {  	s4 =	simm.s32 $_size__tile_overlayer_lowered;
	s5 =	simm.s32 $_tile_overlayer_lowered  }
0x9b: {  	s22 =	simm.s32 $0x1BFF;
	s21 =	sshll.u32 s5, $0x1;
	s2 =	sadd.s32 s19, s18  }
0x9c: {  	s6 =	simm.s32 $0x0;
	s20 =	sshll.u32 s4, $0x1;
	s4 =	sadd.s32 s21, s2  }
0x9d: {  	[timem:s6], [sflag:s22] =	dma.local [hbm:s4], s20  }
0x9e: {  	_ =	swait.ge [sflag:s22], s20  }
0x9f: {  	s3 =	ssub.s32 $0x0, s20;
	[sflag:s22] =	ssyncset.done $0x0  }
0xa0: {  	[sflag:s22] =	ssyncadd.s32 s3;
	_ =	sdelay $0x1  }
0xa1: {  	s23 =	simm.s32 $0x1B8B  }
0xa2: {  	_ =	swait.ge [sflag:s23], $0x1  }
0xa3: {  	[sflag:s23] =	ssyncset.done $0x0  }
0xa4: {  	s25 =	simm.s32 $0x1B8E;
	s24 =	sld [smem:$0x3FFE];
	[sflag:s23] =	ssyncadd.s32 $0xFFFFFFFF  }
0xa5: {  	s26 =	simm.s32 $execute0_lowered;
	[smem:$0x3FD2] =	sst s25  }
0xa6: {  	s4 =	sshll.u32 s26, $0x1;
	_ =	strace $0x8000004F;
	[dreg:$0x1] =	wrdreg $0xFFFFFFFF  }
0xa7: {  	s28 =	simm.s32 $_size_execute0_lowered;
	s2 =	sadd.s32 s2, s4;
	[dreg:$0x0] =	wrdreg $0x0  }
0xa8: {  	s4 =	sshll.u32 s28, $0x1;
	[dreg:$0x2] =	wrdreg s2  }
0xa9: {  	[dreg:$0x3] =	wrdreg s4  }
0xaa: {  	[dreg:$0x4] =	wrdreg $0xC0  }
0xab: {  	_ =	task [dreg:s6], $0x5FFFF  }
0xac: {  	[dreg:$0x1] =	wrdreg $0xFFFFFFFF  }
0xad: {  	[dreg:$0x0] =	wrdreg $0x60  }
0xae: {  	[dreg:$0x2] =	wrdreg s24  }
0xaf: {  	[dreg:$0x3] =	wrdreg $0x9  }
0xb0: {  	_ =	task.clear_ibuf [dreg:s6], $0x4FFFF;
	_ =	strace $0x9000004F  }
0xb1: {  	s29 =	simm.s32 $0x9;
	_ =	strace $0x80000051  }
0xb2: {  	_ =	swait.ge [sflag:s29], $0x1  }
0xb3: {  	[sflag:s29] =	ssyncadd.s32 $0xFFFFFFFF  }
0xb4: {  	_ =	strace $0x90000051  }
0xb5: {  	_ =	sfence  }
0xb6: {  	s30 =	sld [smem:$0x0];
	_ =	sdelay $0x2  }
0xb7: {  	s31 =	sshll.u32 s1, $0xD;
	s1 =	sshrl.u32 s1, $0x2  }
0xb8: {  	s3 =	sand.u32 $0x4000, s31;
	s1 =	sadd.s32 s1, s30  }
0xb9: {  	s0 =	sor.u32 s3, s0;
	s1 =	sshll.u32 s1, $0x11  }
0xba: {  	s0 =	sor.u32 s1, s0  }
0xbb: {  	s0 =	sadd.s32 $0x8F2B, s0  }
0xbc: {  	[sflag:s0] =	ssyncadd.remote.s32 $0x1  }
0xbd: {  	_ =	sfence.sel $0xFFFF  }
0xbe: {  	[dreg:$0x0] =	wrdreg $0xFFFFFFFF;
	(pc) =	sbr.abs _section_cstart, $3  }
0xbf: {  	[dreg:$0x1] =	wrdreg $0xFFFFFFFF  }
0xc0: {  	_ =	task.clear_ibuf [dreg:s6], $0x2FFFF;
	_ =	strace $0x9FFFFFFF  }
0xc1: {  	(tm) =	ssettm $0x7FFFFFFF  }
tec
execute0_lowered:
.L_overlay_start_1:
0x0: {  	(tag) =	ssettag $0x1  }
0x1: {  	s2 =	rddreg [dreg:$0x0]  }
0x2: {  	s0 =	rddreg [dreg:$0x1];
	s4 =	srdreg.scid  }
0x3: {  	s1 =	stileid.u32;
	s3 =	simm.s32 $0x0;
	s11 =	simm.s32 $0x400  }
0x4: {  	s12 =	simm.s32 $0x80;
	s13 =	simm.s32 $0x1080;
	s14 =	simm.s32 $0x2080  }
0x5: {  	s15 =	simm.s32 $0x3080;
	s16 =	simm.s32 $0x5080;
	s17 =	simm.s32 $0x7080  }
0x6: {  	s18 =	simm.s32 $0x0;
	s5 =	sand.u32 $0x1, s4;
	s29 =	sshll.u32 s1, $0x8  }
0x7: {  	s7 =	sshrl.u32 s1, $0x2;
	[smem:$0x7FF] =	sst s3;
	s6 =	sshll.u32 s5, $0x7  }
0x8: {  	s4 =	sand.u32 $0x300, s29;
	s30 =	sshll.u32 s7, $0xA;
	_ =	strace $0x80000050  }
0x9: {  	s9 =	ssub.s32 $0x2, s5;
	s5 =	sadd.s32 $0x100000, s2;
	s8 =	sor.u32 s6, s4  }
0xa: {  	s7 =	sshll.u32 s7, $0x15;
	s31 =	sshrl.u32 s9, $0x1;
	s6 =	sor.u32 s30, s8  }
0xb: {  	s4 =	sadd.s32 $0x200000, s2;
	s9 =	ssub.s32 s9, s31;
	s6 =	sshrl.u32 s6, $0x3  }
0xc: {  	s7 =	sor.u32 s8, s7;
	s9 =	smax.u32 s9, $0x1;
	s10 =	sadd.s32 s6, s2  }
0xd: {  	v0 =	vimm.f32 $0.0e+00;
	v1 =	vimm.f32 $1.000000000e+00;
	vm0 =	vcmask $0x300;
	s6 =	sadd.s32 $0x300000, s10;
	s8 =	sadd.s32 $0x300200, s10;
	s10 =	simm.s32 $0x1  }
.LBB2_1:
0xe: {  	[tilespmem:s3], [sflag:$0x1] =	stream.linear.gather [hbm4b:s6+s3], $0x80, $0x38;
	[tilespmem:$0x7100] =	vst v63  }
0xf: {  	_ =	swait.ge [sflag:s10], $0x80  }
0x10: {  	[sflag:s10] =	ssyncset.done $0x0  }
0x11: {  	[sflag:s10] =	ssyncadd.s32 $0xFFFFFF80  }
0x12: {  	s19 =	simm.s32 $0x40;
	s20 =	simm.s32 $0x0;
	v2 =	vld [tilespmem:$0x0]  }
.LBB2_2:
0x13: {  	p0 =	seq.s32 s19, $0x7FC0;
	[tilespmem:s20+$0x3080] =	vst v0;
	s21 =	smov.u32 s19;
	s19 =	sadd.s32 $0x40, s19  }
.Ltmp0:
0x14: {  	[tilespmem:s20+$0x5080] =	vst v0;
	(pc) =	sbr.rel @!p0 .LBB2_2-.Ltmp0, $2  }
0x15: {  	_ =	sdelay $0x2  }
0x16: {  	s20 =	sshra.s32 s21, $0x2  }
0x17: {  	[tilespmem:s20+$0x3080] =	vst v0;
	v3 =	vbroadcast v2, $0x0  }
0x18: {  	[tilespmem:s20+$0x5080] =	vst v0;
	v4 =	vbroadcast v2, $0x1;
	v5 =	vbroadcast v2, $0x2;
	s19 =	simm.s32 $0x0  }
.LBB2_4:
0x19: {  	s20 =	sshll.u32 s19, $0xF  }
0x1a: {  	s20 =	sadd.s32 s7, s20  }
0x1b: {  	s20 =	sshrl.u32 s20, $0x3  }
0x1c: {  	s21 =	sadd.s32 s4, s20  }
0x1d: {  	[tilespmem:s12], [sflag:$0x1] =	stream.strided.gather [hbm4b:s21+s12], $0x1000, s11, s12, $0x38;
	[tilespmem:$0x7100] =	vst v63  }
0x1e: {  	_ =	swait.ge [sflag:s10], $0x1000  }
0x1f: {  	[sflag:s10] =	ssyncset.done $0x0  }
0x20: {  	s31 =	sadd.s32 s5, s20;
	[sflag:s10] =	ssyncadd.s32 $0xFFFFF000  }
0x21: {  	[tilespmem:s13], [sflag:$0x1] =	stream.strided.gather [hbm4b:s31+s12], $0x1000, s11, s12, $0x38;
	[tilespmem:$0x7100] =	vst v63  }
0x22: {  	_ =	swait.ge [sflag:s10], $0x1000  }
0x23: {  	[sflag:s10] =	ssyncset.done $0x0  }
0x24: {  	s20 =	sadd.s32 s2, s20;
	[sflag:s10] =	ssyncadd.s32 $0xFFFFF000  }
0x25: {  	[tilespmem:s14], [sflag:$0x1] =	stream.strided.gather [hbm4b:s20+s12], $0x1000, s11, s12, $0x38;
	[tilespmem:$0x7100] =	vst v63  }
0x26: {  	_ =	swait.ge [sflag:s10], $0x1000  }
0x27: {  	[sflag:s10] =	ssyncset.done $0x0  }
0x28: {  	s21 =	simm.s32 $0x0;
	[sflag:s10] =	ssyncadd.s32 $0xFFFFF000  }
0x29: {  	s20 =	simm.s32 $0x40;
	v6 =	vld [tilespmem:s21+$0x80]  }
.LBB2_5:
0x2a: {  	p0 =	sne.s32 s20, $0x3FC0;
	_ =	sdelay $0x2  }
0x2b: {  	v7 =	vld [tilespmem:s21+$0x1080]  }
0x2c: {  	v6 =	vmul.f32 v6, v3;
	_ =	sdelay $0x1  }
0x2d: {  	v6 =	vadd.f32 v6, v4;
	_ =	sdelay $0x1  }
0x2e: {  	v6 =	vsub.f32 v6, v7;
	_ =	sdelay $0x1  }
0x2f: {  	v6 =	vand.u32 $0x7FFFFFFF, v6  }
0x30: {  	v7 =	vmul.f32 v6, v5;
	v8 =	vld [tilespmem:s21+$0x2080];
	_ =	sdelay $0x1  }
0x31: {  	v7 =	vtrunc.f32 v7  }
0x32: {  	v7 =	vcvt.f32.s32 v7;
	_ =	sdelay $0x1  }
0x33: {  	vm1 =	vlt.s32 v7, $0x1FFF;
	vm2 =	vgt.s32 v8, $0x0  }
0x34: {  	v7 =	vnsel vm1, $0x1FFF, v7;
	_ =	sdelay $0x2  }
.Ltmp1:
0x35: {  	(pc) =	sbr.rel @p0 .LBB2_5-.Ltmp1, $4  }
0x36: {  	_ = 	snop  }
0x37: {  	[tilespmem:v7+s15+$0x0] =	vst.idx.add.f32.msk vm2, v1  }
0x38: {  	s21 =	sshra.s32 s20, $0x2;
	[tilespmem:v7+s16+$0x0] =	vst.idx.add.f32.msk vm2, v6  }
0x39: {  	s20 =	sadd.s32 $0x40, s20;
	v6 =	vld [tilespmem:s21+$0x80]  }
0x3a: {  	_ =	sdelay $0x2  }
0x3b: {  	v7 =	vld [tilespmem:s21+$0x1080]  }
0x3c: {  	v6 =	vmul.f32 v6, v3;
	_ =	sdelay $0x1  }
0x3d: {  	v6 =	vadd.f32 v6, v4;
	_ =	sdelay $0x1  }
0x3e: {  	v6 =	vsub.f32 v6, v7;
	_ =	sdelay $0x1  }
0x3f: {  	v6 =	vand.u32 $0x7FFFFFFF, v6  }
0x40: {  	v8 =	vld [tilespmem:s21+$0x2080];
	v7 =	vmul.f32 v6, v5;
	_ =	sdelay $0x1  }
0x41: {  	v7 =	vtrunc.f32 v7  }
0x42: {  	v7 =	vcvt.f32.s32 v7;
	_ =	sdelay $0x1  }
0x43: {  	vm2 =	vgt.s32 v8, $0x0;
	vm1 =	vlt.s32 v7, $0x1FFF  }
0x44: {  	s19 =	sadd.s32 $0x1, s19;
	v7 =	vnsel vm1, $0x1FFF, v7  }
0x45: {  	p0 =	sne.s32 s19, $0x40  }
.Ltmp2:
0x46: {  	_ = 	snop;
	(pc) =	sbr.rel @p0 .LBB2_4-.Ltmp2, $3  }
0x47: {  	_ =	sdelay $0x1  }
0x48: {  	[tilespmem:v7+s15+$0x0] =	vst.idx.add.f32.msk vm2, v1  }
0x49: {  	[tilespmem:v7+s16+$0x0] =	vst.idx.add.f32.msk vm2, v6  }
0x4a: {  	s21 =	simm.s32 $0x0  }
0x4b: {  	v3 =	vld [tilespmem:s21+$0x3080];
	_ =	sdelay $0x3  }
0x4c: {  	s24 =	simm.s32 $0x10  }
0x4d: {  	v4 =	vld [tilespmem:s24+$0x3080];
	(xrf2) =	vadd.scan.msk.f32 $0xffff, v3;
	_ =	sdelay $0x4  }
0x4e: {  	(xrf2) =	vadd.scan.msk.f32 $0xffff, v4;
	_ =	sdelay $0x3  }
0x4f: {  	s25 =	simm.s32 $0x20;
	(v2sf) =	vpush v2, $0x3  }
0x50: {  	v5 =	vld [tilespmem:s25+$0x3080];
	v2, _, _ =	vpop (xrf2)  }
0x51: {  	(v2sf) =	vpush v2, $0xF;
	_ =	sdelay $0x3  }
0x52: {  	(xrf2) =	vadd.scan.msk.f32 $0xffff, v5;
	v6, _, _ =	vpop (xrf2)  }
0x53: {  	(v2sf) =	vpush v6, $0xF;
	_ =	sdelay $0x1  }
0x54: {  	v7 =	vmax.f32 v3, $1.000000000e+00  }
0x55: {  	s22 =	simm.s32 $0x30;
	(erf) = vrcp.f32 v7  }
0x56: {  	s23 =	simm.s32 $0x40;
	v8 =	vld [tilespmem:s22+$0x3080]  }
0x57: {  	v10 =	vld [tilespmem:s23+$0x3080]  }
0x58: {  	v7 =	vmax.f32 v4, $1.000000000e+00  }
0x59: {  	(erf) = vrcp.f32 v7  }
0x5a: {  	s19 =	simm.f32 $0.0e+00;
	v9 =	vld [tilespmem:s21+$0x5080];
	s20 =	spop (v2sf)  }
0x5b: {  	(xrf2) =	vadd.scan.msk.f32 $0xffff, v8;
	s30 =	ssub.f32 s20, s19;
	v2 =	vsub.f32 v2, v3;
	v7, _, _ =	vpop (xrf2)  }
0x5c: {  	(xrf2) =	vadd.scan.msk.f32 $0xffff, v10;
	(v2sf) =	vpush v7, $0xF;
	s26 =	spop (v2sf)  }
0x5d: {  	v11 =	vmax.f32 v5, $1.000000000e+00;
	v2 =	vsub.f32 s30, v2;
	s31 =	sadd.f32 s26, s19  }
0x5e: {  	v13 =	vld [tilespmem:s24+$0x5080];
	(erf) = vrcp.f32 v11;
	v12 =	vpop (erf)  }
0x5f: {  	v9 =	vmul.f32 v12, v9;
	v6 =	vsub.f32 v6, v4;
	v14 =	vmax.f32 v2, $0.0e+00;
	s26 =	ssub.f32 s20, s31  }
0x60: {  	v3 =	vmin.f32 v3, v14  }
0x61: {  	s24 =	simm.s32 $0x50;
	v3 =	vmul.f32 v3, v9;
	s28 =	spop (v2sf);
	v6 =	vsub.f32 s26, v6  }
0x62: {  	v12 =	vpop (erf);
	v2 =	vld [tilespmem:s24+$0x3080];
	s28 =	sadd.f32 s28, s31  }
0x63: {  	v9 =	vld [tilespmem:s25+$0x5080];
	(xrf2) =	vadd.scan.msk.f32 $0xffff, v3;
	v3 =	vmax.f32 v6, $0.0e+00;
	v6 =	vmul.f32 v12, v13  }
0x64: {  	v7 =	vsub.f32 v7, v5;
	s26 =	ssub.f32 s20, s28  }
0x65: {  	s21 =	simm.s32 $0x60;
	v11, _, _ =	vpop (xrf2)  }
0x66: {  	(v2sf) =	vpush v11, $0xF;
	v12, _, _ =	vpop (xrf2);
	v7 =	vsub.f32 s26, v7;
	v4 =	vmin.f32 v4, v3;
	v3 =	vld [tilespmem:s21+$0x3080]  }
0x67: {  	v13 =	vmax.f32 v8, $1.000000000e+00;
	(v2sf) =	vpush v12, $0xF;
	v4 =	vmul.f32 v4, v6;
	v6 =	vpop (erf)  }
0x68: {  	(xrf2) =	vadd.scan.msk.f32 $0xffff, v2;
	(erf) = vrcp.f32 v13;
	v7 =	vmax.f32 v7, $0.0e+00;
	v6 =	vmul.f32 v6, v9  }
0x69: {  	(xrf2) =	vadd.scan.msk.f32 $0xffff, v4;
	v4 =	vmin.f32 v5, v7  }
0x6a: {  	v4 =	vmul.f32 v4, v6  }
0x6b: {  	s29 =	spop (v2sf);
	(xrf2) =	vadd.scan.msk.f32 $0xffff, v3  }
0x6c: {  	s25 =	sadd.f32 s29, s28;
	v5 =	vmax.f32 v10, $1.000000000e+00;
	(xrf2) =	vadd.scan.msk.f32 $0xffff, v4  }
0x6d: {  	(erf) = vrcp.f32 v5;
	v5 =	vld [tilespmem:s22+$0x5080]  }
0x6e: {  	s30 =	ssub.f32 s20, s25;
	v6 =	vsub.f32 v11, v8  }
0x6f: {  	s22 =	simm.s32 $0x70  }
0x70: {  	v9, _, _ =	vpop (xrf2);
	v4 =	vld [tilespmem:s22+$0x3080];
	v6 =	vsub.f32 s30, v6  }
0x71: {  	(v2sf) =	vpush v9, $0xF;
	v9 =	vpop (erf)  }
0x72: {  	v13 =	vmax.f32 v2, $1.000000000e+00;
	v15 =	vmax.f32 v6, $0.0e+00;
	v9 =	vmul.f32 v9, v5  }
0x73: {  	v11, _, _ =	vpop (xrf2);
	v8 =	vmin.f32 v8, v15  }
0x74: {  	(v2sf) =	vpush v11, $0xF;
	v6 =	vsub.f32 v11, v2;
	v8 =	vmul.f32 v8, v9;
	v11, _, _ =	vpop (xrf2)  }
0x75: {  	s28 =	spop (v2sf);
	(erf) = vrcp.f32 v13;
	(xrf2) =	vadd.scan.msk.f32 $0xffff, v4;
	(v2sf) =	vpush v11, $0xF;
	v13, _, _ =	vpop (xrf2)  }
0x76: {  	v14 =	vld [tilespmem:s23+$0x5080];
	s23 =	simm.s32 $0x80;
	s25 =	sadd.f32 s28, s25;
	(xrf2) =	vadd.scan.msk.f32 $0xffff, v8;
	v8 =	vsub.f32 v13, v3;
	(v2sf) =	vpush v13, $0xF;
	v13, _, _ =	vpop (xrf2)  }
0x77: {  	v5 =	vld [tilespmem:s23+$0x3080];
	s29 =	spop (v2sf);
	(v2sf) =	vpush v13, $0xF  }
0x78: {  	v12 =	vsub.f32 v12, v10;
	s31 =	ssub.f32 s20, s25;
	_ =	sdelay $0x1  }
0x79: {  	v12 =	vsub.f32 s31, v12  }
0x7a: {  	v11 =	vpop (erf)  }
0x7b: {  	v12 =	vmax.f32 v12, $0.0e+00;
	v14 =	vmul.f32 v11, v14;
	(xrf2) =	vadd.scan.msk.f32 $0xffff, v5  }
0x7c: {  	v7 =	vmax.f32 v3, $1.000000000e+00;
	v12 =	vmin.f32 v10, v12  }
0x7d: {  	s26 =	simm.s32 $0x240;
	s28 =	simm.s32 $0x280;
	v10 =	vld [tilespmem:s24+$0x5080];
	v9 =	vmax.f32 v4, $1.000000000e+00;
	v11 =	vmax.f32 v5, $1.000000000e+00;
	s25 =	sadd.f32 s29, s25;
	v12 =	vmul.f32 v12, v14  }
.LBB2_8:
0x7e: {  	s24 =	sshra.s32 s26, $0x2  }
0x7f: {  	s29 =	ssub.f32 s20, s25;
	s30 =	spop (v2sf);
	v13 =	vmov v5;
	s26 =	smov.u32 s28  }
0x80: {  	p0 =	sne.s32 s28, $0x7FC0;
	s28 =	sadd.s32 $0x40, s28;
	v5 =	vld [tilespmem:s24+$0x3080];
	(erf) = vrcp.f32 v7;
	s19 =	sadd.f32 s30, s19;
	v7 =	vmov v9;
	v9 =	vmov v11  }
.Ltmp3:
0x81: {  	v11, _, _ =	vpop (xrf2);
	v14 =	vsub.f32 s29, v6;
	(xrf2) =	vadd.scan.msk.f32 $0xffff, v12;
	v6 =	vmov v8;
	(pc) =	sbr.rel @p0 .LBB2_8-.Ltmp3, $4  }
0x82: {  	v8 =	vsub.f32 v11, v4;
	(v2sf) =	vpush v11, $0xF;
	v11 =	vpop (erf)  }
0x83: {  	v12 =	vmax.f32 v14, $0.0e+00;
	v14 =	vmul.f32 v11, v10;
	s29 =	spop (v2sf)  }
0x84: {  	v12 =	vmin.f32 v2, v12;
	s25 =	sadd.f32 s29, s25;
	v15, _, _ =	vpop (xrf2);
	v2 =	vmov v3;
	v3 =	vmov v4  }
0x85: {  	v4 =	vmovc v13;
	v11 =	vmax.f32 v5, $1.000000000e+00;
	(xrf2) =	vadd.scan.msk.f32 $0xffff, v5;
	v10 =	vld [tilespmem:s21+$0x5080];
	v12 =	vmul.f32 v12, v14;
	(v2sf) =	vpush v15, $0xF;
	s21 =	smov.u32 s22;
	s22 =	smov.u32 s23;
	s23 =	smov.u32 s24  }
0x86: {  	_ =	sdelay $0x5  }
0x87: {  	v13, _, _ =	vpop (xrf2)  }
0x88: {  	(v2sf) =	vpush v13, $0xF  }
0x89: {  	v14, _, _ =	vpop (xrf2)  }
0x8a: {  	(v2sf) =	vpush v14, $0xF;
	v42, _, _ =	vpop (xrf2)  }
0x8b: {  	s28 =	sshra.s32 s26, $0x2;
	(v2sf) =	vpush v42, $0xF  }
0x8c: {  	v15 =	vld [tilespmem:s28+$0x3080];
	_ =	sdelay $0x2  }
0x8d: {  	(erf) = vrcp.f32 v7  }
0x8e: {  	(xrf2) =	vadd.scan.msk.f32 $0xffff, v12;
	(erf) = vrcp.f32 v9  }
0x8f: {  	(xrf2) =	vadd.scan.msk.f32 $0xffff, v15  }
0x90: {  	s24 =	spop (v2sf)  }
0x91: {  	s31 =	ssub.f32 s20, s25;
	s30 =	spop (v2sf)  }
0x92: {  	s29 =	sadd.f32 s30, s25;
	s26 =	spop (v2sf);
	(erf) = vrcp.f32 v11  }
0x93: {  	v43 =	vld [tilespmem:s21+$0x5080];
	s30 =	spop (v2sf)  }
0x94: {  	v6 =	vsub.f32 s31, v6;
	v44 =	vmax.f32 v15, $1.000000000e+00;
	s30 =	sadd.f32 s30, s29;
	s21 =	spop (v2sf)  }
0x95: {  	v46 =	vld [tilespmem:s22+$0x5080];
	v47 =	vpop (erf);
	(erf) = vrcp.f32 v44;
	s29 =	ssub.f32 s20, s29;
	s31 =	spop (v2sf)  }
0x96: {  	v6 =	vmax.f32 v6, $0.0e+00;
	v9 =	vmul.f32 v47, v10;
	v48 =	vpop (erf);
	s25 =	sadd.f32 s31, s30  }
0x97: {  	v50 =	vld [tilespmem:s23+$0x5080];
	v45 =	vsub.f32 v13, v4;
	v2 =	vmin.f32 v2, v6;
	v16 =	vpop (erf);
	s22 =	ssub.f32 s20, s30;
	v8 =	vsub.f32 s29, v8;
	s29 =	spop (v2sf)  }
0x98: {  	v2 =	vmul.f32 v2, v9;
	v51 =	vmul.f32 v48, v43;
	v54, _, _ =	vpop (xrf2);
	s31 =	ssub.f32 s20, s25;
	s30 =	spop (v2sf)  }
0x99: {  	v53 =	vsub.f32 v42, v5;
	v49 =	vsub.f32 s22, v45;
	v52 =	vmax.f32 v8, $0.0e+00;
	v55, _, _ =	vpop (xrf2);
	s22 =	sadd.f32 s30, s25  }
0x9a: {  	v58 =	vld [tilespmem:s28+$0x5080];
	(xrf2) =	vadd.scan.msk.f32 $0xffff, v2;
	v57 =	vmul.f32 v16, v46;
	v3 =	vmin.f32 v3, v52;
	v2 =	vsub.f32 v55, v15  }
0x9b: {  	v60 =	vpop (erf);
	v3 =	vmul.f32 v3, v51;
	v56 =	vmax.f32 v49, $0.0e+00;
	v8 =	vsub.f32 s31, v53;
	s23 =	ssub.f32 s20, s22  }
0x9c: {  	v61 =	vmul.f32 v60, v50;
	v59 =	vmin.f32 v4, v56  }
0x9d: {  	v4 =	vmul.f32 v59, v57;
	(xrf2) =	vadd.scan.msk.f32 $0xffff, v3;
	v3 =	vmax.f32 v8, $0.0e+00;
	v2 =	vsub.f32 s23, v2  }
0x9e: {  	v62 =	vpop (erf);
	v3 =	vmin.f32 v5, v3  }
0x9f: {  	v63 =	vmul.f32 v62, v58;
	(xrf2) =	vadd.scan.msk.f32 $0xffff, v4;
	v3 =	vmul.f32 v3, v61;
	v2 =	vmax.f32 v2, $0.0e+00  }
0xa0: {  	v2 =	vmin.f32 v15, v2  }
0xa1: {  	(xrf2) =	vadd.scan.msk.f32 $0xffff, v3;
	v2 =	vmul.f32 v2, v63;
	_ =	sdelay $0x1  }
0xa2: {  	(xrf2) =	vadd.scan.msk.f32 $0xffff, v2  }
0xa3: {  	(v2sf) =	vpush v54, $0xF  }
0xa4: {  	(v2sf) =	vpush v55, $0xF;
	v2, _, _ =	vpop (xrf2)  }
0xa5: {  	(v2sf) =	vpush v2, $0xF  }
0xa6: {  	v2, _, _ =	vpop (xrf2)  }
0xa7: {  	(v2sf) =	vpush v2, $0xF  }
0xa8: {  	v2, _, _ =	vpop (xrf2)  }
0xa9: {  	(v2sf) =	vpush v2, $0xF  }
0xaa: {  	v2, _, _ =	vpop (xrf2)  }
0xab: {  	s19 =	sadd.f32 s24, s19;
	(v2sf) =	vpush v2, $0xF  }
0xac: {  	v2, _, _ =	vpop (xrf2)  }
0xad: {  	s19 =	sadd.f32 s26, s19;
	(v2sf) =	vpush v2, $0xF;
	_ =	sdelay $0x1  }
0xae: {  	s19 =	sadd.f32 s21, s19;
	_ =	sdelay $0x1  }
0xaf: {  	s19 =	sadd.f32 s29, s19  }
0xb0: {  	s24 =	spop (v2sf)  }
0xb1: {  	s19 =	sadd.f32 s24, s19;
	s25 =	spop (v2sf)  }
0xb2: {  	s26 =	spop (v2sf)  }
0xb3: {  	s19 =	sadd.f32 s26, s19  }
0xb4: {  	s28 =	spop (v2sf)  }
0xb5: {  	s19 =	sadd.f32 s28, s19  }
0xb6: {  	s29 =	spop (v2sf)  }
0xb7: {  	s19 =	sadd.f32 s29, s19  }
0xb8: {  	s30 =	spop (v2sf)  }
0xb9: {  	s19 =	sadd.f32 s30, s19  }
0xba: {  	s31 =	spop (v2sf)  }
0xbb: {  	s19 =	sadd.f32 s31, s19;
	_ =	sdelay $0x1  }
0xbc: {  	s18 =	sadd.s32 $0x1, s18;
	v2 =	vmov s19  }
0xbd: {  	p0 =	sne.s32 s18, s9;
	v2 =	vnsel vm0, $0x0, v2  }
.Ltmp4:
0xbe: {  	[tilespmem:$0x7080] =	vst v2;
	(pc) =	sbr.rel @p0 .LBB2_1-.Ltmp4, $4  }
0xbf: {  	[hbm4b:s8+s3] =	stream.linear.scatter [tilespmem:s17], [sflag:$0x1], $0x80, $0x38;
	[tilespmem:$0x7100] =	vst v63  }
0xc0: {  	_ =	swait.ge [sflag:s10], $0x80  }
0xc1: {  	[sflag:s10] =	ssyncset.done $0x0  }
0xc2: {  	[sflag:s10] =	ssyncadd.s32 $0xFFFFFF80  }
0xc3: {  	_ =	sfence.sel $0x180000  }
0xc4: {  	[bflag:$0x0] =	sbarrier.arrive $0xFFFF  }
0xc5: {  	p0 =	sne.s32 s1, $0x0;
	_ =	strace $0x90000050  }
0xc6: {  	s0 =	sadd.s32 @!p0 $0x100000, s0;
	[bflag:$0x2] =	sbarrier.arrive $0xFFFF  }
0xc7: {  	[sflag:s0] =	ssyncadd.tile.s32 @!p0 $0x1;
	_ =	shalt  }
.Lfunc_end2:
_tile_overlayer_lowered:
.L_overlay_start_2:
0xc8: {  	(tag) =	ssettag $0x2  }
0xc9: {  	s0 =	rddreg [dreg:$0x0];
	s2 =	stileid.u32  }
0xca: {  	s1 =	rddreg [dreg:$0x1];
	p0 =	sne.s32 s2, $0x0  }
0xcb: {  	s3 =	rddreg [dreg:$0x2];
	[bflag:$0x3] =	sbarrier.arrive $0xFFFF;
	s2 =	simm.s32 @!p0 $0x1C01  }
0xcc: {  	[timem:s3], [sflag:s2] =	dma.local @!p0 [hbm:s0], s1  }
0xcd: {  	s0 =	simm.s32 @!p0 $0x1  }
0xce: {  	_ =	swait.ge @!p0 [sflag:s0], s1  }
0xcf: {  	s1 =	ssub.s32 @!p0 $0x0, s1;
	[sflag:s0] =	ssyncset.done @!p0 $0x0  }
0xd0: {  	[sflag:s0] =	ssyncadd.s32 @!p0 s1  }
0xd1: {  	[bflag:$0x3] =	sbarrier.arrive $0xFFFF  }
0xd2: {  	_ =	shalt  }

// kernel: sparse-core-data-format-call.1.cloned.1.call-start
scs
called_computation.1_lowered:
.L_overlay_start_0:
0x0: {  	s2 =	sld [smem:$0x3FD9]  }
0x1: {  	s3 =	sld [smem:$0x3FFE];
	_ =	sdelay $0x1  }
0x2: {  	s1 =	srdreg.scid  }
0x3: {  	s0 =	sand.u32 $0x1, s1  }
0x4: {  	s18 =	sshll.u32 s0, $0xA;
	s2 =	sadd.s32 s3, s2  }
0x5: {  	s2 =	sadd.s32 s2, s18  }
0x6: {  	[smem:$0x3FC5] =	sst s2  }
0x7: {  	_ = 	snop  }
0x8: {  	s19 =	sld [smem:$0x3FC8];
	(tm) =	ssettm $0x1  }
0x9: {  	s20 =	sld [smem:$0x3FFB];
	_ =	sdelay $0x3  }
0xa: {  	_ =	strace s20  }
0xb: {  	s2 =	sld [smem:$0x3FFC];
	_ =	sdelay $0x3  }
0xc: {  	_ =	strace s2  }
0xd: {  	s2 =	sld [smem:$0x3FFD];
	_ =	sdelay $0x3  }
0xe: {  	_ =	strace s2  }
0xf: {  	_ =	strace $0x8FFFFFFF  }
0x10: {  	s21 =	sld [smem:$0x3FDB];
	_ =	sdelay $0x1  }
0x11: {  	s4 =	simm.s32 $_scs_section_size  }
0x12: {  	s5 =	simm.s32 $_size__tile_overlayer_lowered;
	s6 =	simm.s32 $_tile_overlayer_lowered  }
0x13: {  	s7 =	simm.s32 $0x1BFF;
	s22 =	sshll.u32 s6, $0x1;
	s4 =	sadd.s32 s4, s21  }
0x14: {  	s23 =	simm.s32 $0x0;
	s5 =	sshll.u32 s5, $0x1;
	s6 =	sadd.s32 s22, s4  }
0x15: {  	[timem:s23], [sflag:s7] =	dma.local [hbm:s6], s5  }
0x16: {  	_ =	swait.ge [sflag:s7], s5  }
0x17: {  	s5 =	ssub.s32 $0x0, s5;
	[sflag:s7] =	ssyncset.done $0x0  }
0x18: {  	[sflag:s7] =	ssyncadd.s32 s5;
	_ =	sdelay $0x1  }
0x19: {  	s24 =	simm.s32 $0x1B8B  }
0x1a: {  	_ =	swait.ge [sflag:s24], $0x1  }
0x1b: {  	[sflag:s24] =	ssyncset.done $0x0  }
0x1c: {  	[sflag:s24] =	ssyncadd.s32 $0xFFFFFFFF  }
0x1d: {  	s5 =	sld [smem:$0x0]  }
0x1e: {  	s6 =	sand.u32 $0xFFFFFFFE, s1  }
0x1f: {  	p0 =	sne.s32 s1, s6  }
0x20: {  	s6 =	sshll.u32 @p0 s6, $0xE  }
0x21: {  	s6 =	sadd.s32 @p0 $0x11B8D, s6;
	s7 =	sshll.u32 @p0 s5, $0x11  }
0x22: {  	s6 =	sor.u32 @p0 s7, s6  }
0x23: {  	[sflag:s6] =	ssyncadd.remote.s32 @p0 $0x1;
	_ =	sdelay $0x1  }
0x24: {  	s6 =	simm.s32 @p0 $0x1B8D  }
0x25: {  	_ =	swait.eq @p0 [sflag:s6], $0x1  }
0x26: {  	[sflag:s6] =	ssyncadd.s32 @p0 $0xFFFFFFFF  }
0x27: {  	s7 =	sshll.u32 @!p0 s1, $0xE  }
0x28: {  	s7 =	sor.u32 @!p0 $0x4000, s7;
	s6 =	simm.s32 @!p0 $0x1B8D  }
0x29: {  	s5 =	sshll.u32 @!p0 s5, $0x11;
	s7 =	sadd.s32 @!p0 $0x11B8D, s7;
	_ =	swait.eq @!p0 [sflag:s6], $0x1  }
0x2a: {  	s5 =	sor.u32 @!p0 s5, s7;
	[sflag:s6] =	ssyncadd.s32 @!p0 $0xFFFFFFFF  }
0x2b: {  	s26 =	simm.s32 $0x1B8E;
	s25 =	sld [smem:$0x3FFE];
	[sflag:s5] =	ssyncadd.remote.s32 @!p0 $0x1  }
0x2c: {  	s27 =	simm.s32 $execute0_lowered;
	[smem:$0x3FD2] =	sst s26  }
0x2d: {  	s6 =	sshll.u32 s27, $0x1;
	_ =	strace $0x80000049;
	[dreg:$0x1] =	wrdreg $0xFFFFFFFF  }
0x2e: {  	s28 =	simm.s32 $_size_execute0_lowered;
	s4 =	sadd.s32 s4, s6;
	[dreg:$0x0] =	wrdreg $0x0  }
0x2f: {  	s6 =	sshll.u32 s28, $0x1;
	[dreg:$0x2] =	wrdreg s4  }
0x30: {  	[dreg:$0x3] =	wrdreg s6  }
0x31: {  	[dreg:$0x4] =	wrdreg $0xC0  }
0x32: {  	_ =	task [dreg:s23], $0x5FFFF  }
0x33: {  	[dreg:$0x1] =	wrdreg $0xFFFFFFFF  }
0x34: {  	[dreg:$0x0] =	wrdreg $0x60  }
0x35: {  	[dreg:$0x2] =	wrdreg s19  }
0x36: {  	[dreg:$0x3] =	wrdreg s25  }
0x37: {  	[dreg:$0x4] =	wrdreg $0xA  }
0x38: {  	_ =	task.clear_ibuf [dreg:s23], $0x5FFFF;
	_ =	strace $0x90000049  }
0x39: {  	s29 =	simm.s32 $0xA;
	_ =	strace $0x8000004B  }
0x3a: {  	_ =	swait.ge [sflag:s29], $0x1  }
0x3b: {  	[sflag:s29] =	ssyncadd.s32 $0xFFFFFFFF  }
0x3c: {  	_ =	strace $0x9000004B  }
0x3d: {  	_ =	sfence  }
0x3e: {  	s30 =	sld [smem:$0x0];
	_ =	sdelay $0x2  }
0x3f: {  	s31 =	sshll.u32 s1, $0xD;
	s1 =	sshrl.u32 s1, $0x2  }
0x40: {  	s4 =	sand.u32 $0x4000, s31;
	s1 =	sadd.s32 s1, s30  }
0x41: {  	s0 =	sor.u32 s4, s0;
	s1 =	sshll.u32 s1, $0x11  }
0x42: {  	s0 =	sor.u32 s1, s0  }
0x43: {  	s0 =	sadd.s32 $0x8F2B, s0  }
0x44: {  	[sflag:s0] =	ssyncadd.remote.s32 $0x1  }
0x45: {  	_ =	sfence.sel $0xFFFF  }
0x46: {  	[dreg:$0x0] =	wrdreg $0xFFFFFFFF;
	(pc) =	sbr.abs _section_cstart, $3  }
0x47: {  	[dreg:$0x1] =	wrdreg $0xFFFFFFFF  }
0x48: {  	_ =	task.clear_ibuf [dreg:s23], $0x2FFFF;
	_ =	strace $0x9FFFFFFF  }
0x49: {  	(tm) =	ssettm $0x7FFFFFFF  }
tec
execute0_lowered:
.L_overlay_start_1:
0x0: {  	(tag) =	ssettag $0x1  }
0x1: {  	s2 =	rddreg [dreg:$0x0]  }
0x2: {  	s1 =	rddreg [dreg:$0x1]  }
0x3: {  	s0 =	rddreg [dreg:$0x2];
	s4 =	srdreg.scid  }
0x4: {  	_ =	strace $0x8000004A;
	s7 =	simm.s32 $0x2;
	s13 =	simm.s32 $0x0  }
0x5: {  	p0 =	por $0x0, $0x0;
	s14 =	simm.s32 $0x0;
	s16 =	simm.s32 $0x0  }
0x6: {  	s15 =	simm.s32 $0x0;
	s9 =	simm.s32 $0x0;
	s10 =	simm.s32 $0x0  }
.Ltmp0:
0x7: {  	s3 =	sadd.s32 $0x100000, s1;
	s4 =	sshll.u32 s4, $0x4;
	(pc) =	sbr.rel .LBB1_1-.Ltmp0, $4  }
0x8: {  	s1 =	stileid.u32;
	s5 =	sand.u32 $0x10, s4;
	s4 =	simm.s32 $0x1  }
0x9: {  	s8 =	simm.s32 $0x0;
	s6 =	sor.u32 s1, s5;
	[sflag:s4] =	ssyncpa.u1 $0x0  }
0xa: {  	s5 =	sand.u32 $0x3, s1;
	s6 =	sshrl.u32 s6, $0x2;
	[sflag:s7] =	ssyncpa.u1 $0x0  }
0xb: {  	s7 =	simm.s32 $0x1000;
	s12 =	smov.u32 s5;
	s11 =	smov.u32 s6  }
.LBB1_5:
0xc: {  	s17 =	sadd.s32 $0x80, s9  }
0xd: {  	s13 =	sadd.s32 $0x80, s10;
	s18 =	smov.u32 s10;
	p2 =	sgt.s32 s17, $0x1FF  }
0xe: {  	s18 =	smov.u32 @p2 s13  }
0xf: {  	s19 =	smov.u32 s11;
	s13 =	sadd.s32 $0x8, s11;
	p3 =	sgt.s32 s18, $0x1FF  }
0x10: {  	s19 =	smov.u32 @p3 s13  }
0x11: {  	s20 =	smov.u32 s12;
	s13 =	sadd.s32 $0x4, s12;
	p4 =	sgt.s32 s19, $0x7  }
0x12: {  	p1 =	slt.u32 s8, $0x2;
	s20 =	smov.u32 @p4 s13  }
0x13: {  	s8 =	sadd.s32 $0x1, s8;
	s17 =	simm.s32 @p2 $0x0;
	p2 =	sgt.s32 s20, $0x3  }
0x14: {  	s21 =	simm.s32 @!p1 $0x2;
	s20 =	smov.u32 @p2 s5;
	p2 =	sne.s32 s8, $0x12  }
.Ltmp1:
0x15: {  	s14 =	smov.u32 s10;
	_ =	swait.ge @!p1 [sflag:s21], $0x4000;
	(pc) =	sbr.rel @!p2 .LBB1_6-.Ltmp1, $4  }
0x16: {  	s16 =	smov.u32 s11;
	s15 =	smov.u32 s12;
	[sflag:s21] =	ssyncset.done @!p1 $0x0  }
0x17: {  	p0 =	por !p0, !p0;
	s18 =	simm.s32 @p3 $0x0;
	[sflag:s21] =	ssyncadd.s32 @!p1 $0xFFFFC000  }
0x18: {  	s10 =	smov.u32 s18;
	s19 =	smov.u32 @p4 s6;
	s13 =	smov.u32 s9  }
0x19: {  	s9 =	smov.u32 s17;
	s11 =	smov.u32 s19;
	s12 =	smov.u32 s20  }
.LBB1_1:
0x1a: {  	p1 =	sgt.u32 s8, $0xF  }
0x1b: {  	s17 =	sxor.u32 @!p1 $0xFFFFFFFF, s8;
	s18 =	sand.u32 @!p1 $0x78, s9;
	s19 =	sshll.u32 @!p1 s10, $0x9  }
0x1c: {  	s20 =	sshll.u32 @!p1 s9, $0x3;
	s21 =	sshll.u32 @!p1 s10, $0x7;
	s17 =	sshll.u32 @!p1 s17, $0xE  }
0x1d: {  	s19 =	sand.u32 @!p1 $0x3F000, s19;
	s20 =	sand.u32 @!p1 $0x3FC00, s20;
	s17 =	sand.u32 @!p1 $0x4000, s17  }
0x1e: {  	s19 =	sadd.s32 @!p1 s19, s20;
	s20 =	sand.u32 @!p1 $0x200, s21;
	s21 =	sand.u32 @!p1 $0x180, s21  }
0x1f: {  	s19 =	sor.u32 @!p1 s20, s19;
	s18 =	sor.u32 @!p1 s18, s21;
	s20 =	sshll.u32 @!p1 s12, $0x12  }
0x20: {  	s21 =	sshll.u32 @!p1 s11, $0xF;
	s19 =	sshrl.u32 @!p1 s19, $0x3;
	s20 =	sadd.s32 @!p1 s2, s20  }
0x21: {  	s18 =	sshrl.u32 @!p1 s18, $0x3;
	s20 =	sadd.s32 @!p1 s21, s20;
	s21 =	sand.u32 @!p1 $0x7, s9  }
0x22: {  	s19 =	sand.u32 @!p1 $0x7FC0, s19;
	s18 =	sadd.s32 @!p1 s18, s20;
	s20 =	sshll.u32 @!p1 s21, $0x12  }
0x23: {  	s18 =	sadd.s32 @!p1 s19, s18;
	s19 =	sor.u32 @!p1 $0x400, s20;
	s20 =	simm.s32 @!p1 $0x1000  }
0x24: {  	[tilespmem:s17], [sflag:$0x1] =	stream.strided.gather @!p1 [hbm4b:s18+s19], $0x4000, s20, s19, $0x38;
	[tilespmem:$0x10000] =	vst v63  }
0x25: {  	p1 =	seq.s32 s8, $0x0  }
0x26: {  	p2 =	seq.s32 @!p1 s8, $0x11  }
0x27: {  	p1 =	por p1, p2  }
.Ltmp2:
0x28: {  	_ = 	snop;
	(pc) =	sbr.rel @p1 .LBB1_5-.Ltmp2, $1  }
0x29: {  	_ =	sdelay $0x3  }
0x2a: {  	s17 =	simm.s32 $0x1  }
0x2b: {  	s17 =	simm.s32 @!p0 $0x0  }
0x2c: {  	s17 =	sshll.u32 s17, $0xE  }
0x2d: {  	s18 =	sor.u32 $0x40, s17  }
0x2e: {  	v1 =	vmov s18;
	_ =	sdelay $0x1  }
0x2f: {  	_ =	swait.ge [sflag:s4], $0x4000  }
0x30: {  	[sflag:s4] =	ssyncset.done $0x0  }
0x31: {  	s19 =	simm.s32 $0x0;
	[sflag:s4] =	ssyncadd.s32 $0xFFFFC000  }
0x32: {  	s17 =	sor.u32 $0x8070, s17;
	v7 =	vld.idx.msk [tilespmem:v1+s19+$0x30 ss:$0x1], $0xffff  }
0x33: {  	v0 =	vmov s17;
	v8 =	vld.idx.msk [tilespmem:v1+s19+$0xFFFFFFC0 ss:$0x1], $0xffff  }
0x34: {  	v6 =	vld.idx.msk [tilespmem:v1+s19+$0xFFFFFFD0 ss:$0x1], $0xffff  }
0x35: {  	v4 =	vld.idx.msk [tilespmem:v1+s19+$0xFFFFFFE0 ss:$0x1], $0xffff  }
0x36: {  	v2 =	vld.idx.msk [tilespmem:v1+s19+$0xFFFFFFF0 ss:$0x1], $0xffff  }
0x37: {  	s31 =	sshll.u32 s8, $0xE;
	v3 =	vld.idx.msk [tilespmem:v1+s19+$0x0 ss:$0x1], $0xffff  }
0x38: {  	s17 =	sand.u32 $0x4000, s31;
	v5 =	vld.idx.msk [tilespmem:v1+s19+$0x10 ss:$0x1], $0xffff;
	[tilespmem:v0+s19+$0x0 ss:$0x1] =	vst.idx.msk $0xffff, v7  }
0x39: {  	s20 =	simm.s32 $0x400;
	s18 =	simm.s32 $0x80;
	s17 =	sor.u32 $0x8000, s17;
	[tilespmem:v0+s19+$0xFFFFFF90 ss:$0x1] =	vst.idx.msk $0xffff, v8;
	v7 =	vld.idx.msk [tilespmem:v1+s19+$0x20 ss:$0x1], $0xffff  }
.LBB1_3:
0x3a: {  	p1 =	sne.s32 s20, $0xFE00;
	v8 =	vld.idx.msk [tilespmem:v1+s18+$0x30 ss:$0x1], $0xffff;
	[tilespmem:v0+s19+$0xFFFFFFA0 ss:$0x1] =	vst.idx.msk $0xffff, v6  }
0x3b: {  	v9 =	vld.idx.msk [tilespmem:v1+s18+$0xFFFFFFC0 ss:$0x1], $0xffff;
	[tilespmem:v0+s19+$0xFFFFFFB0 ss:$0x1] =	vst.idx.msk $0xffff, v4  }
0x3c: {  	v6 =	vld.idx.msk [tilespmem:v1+s18+$0xFFFFFFD0 ss:$0x1], $0xffff;
	[tilespmem:v0+s19+$0xFFFFFFC0 ss:$0x1] =	vst.idx.msk $0xffff, v2  }
.Ltmp3:
0x3d: {  	v4 =	vld.idx.msk [tilespmem:v1+s18+$0xFFFFFFE0 ss:$0x1], $0xffff;
	[tilespmem:v0+s19+$0xFFFFFFD0 ss:$0x1] =	vst.idx.msk $0xffff, v3;
	(pc) =	sbr.rel @p1 .LBB1_3-.Ltmp3, $4  }
0x3e: {  	v2 =	vld.idx.msk [tilespmem:v1+s18+$0xFFFFFFF0 ss:$0x1], $0xffff;
	[tilespmem:v0+s19+$0xFFFFFFE0 ss:$0x1] =	vst.idx.msk $0xffff, v5  }
0x3f: {  	v3 =	vld.idx.msk [tilespmem:v1+s18+$0x0 ss:$0x1], $0xffff;
	[tilespmem:v0+s19+$0xFFFFFFF0 ss:$0x1] =	vst.idx.msk $0xffff, v7;
	s19 =	smov.u32 s18  }
0x40: {  	v5 =	vld.idx.msk [tilespmem:v1+s19+$0x10 ss:$0x1], $0xffff;
	[tilespmem:v0+s19+$0x0 ss:$0x1] =	vst.idx.msk $0xffff, v8  }
0x41: {  	s18 =	sshra.s32 s20, $0x2;
	s20 =	sadd.s32 $0x200, s20;
	[tilespmem:v0+s19+$0xFFFFFF90 ss:$0x1] =	vst.idx.msk $0xffff, v9;
	v7 =	vld.idx.msk [tilespmem:v1+s19+$0x20 ss:$0x1], $0xffff  }
0x42: {  	_ =	sdelay $0x3  }
0x43: {  	[tilespmem:v0+s19+$0xFFFFFFA0 ss:$0x1] =	vst.idx.msk $0xffff, v6  }
0x44: {  	v56 =	vld.idx.msk [tilespmem:v1+s18+$0x30 ss:$0x1], $0xffff;
	[tilespmem:v0+s19+$0xFFFFFFB0 ss:$0x1] =	vst.idx.msk $0xffff, v4  }
0x45: {  	v57 =	vld.idx.msk [tilespmem:v1+s18+$0xFFFFFFC0 ss:$0x1], $0xffff;
	[tilespmem:v0+s19+$0xFFFFFFC0 ss:$0x1] =	vst.idx.msk $0xffff, v2  }
0x46: {  	v58 =	vld.idx.msk [tilespmem:v1+s18+$0xFFFFFFD0 ss:$0x1], $0xffff;
	[tilespmem:v0+s19+$0xFFFFFFD0 ss:$0x1] =	vst.idx.msk $0xffff, v3  }
0x47: {  	v59 =	vld.idx.msk [tilespmem:v1+s18+$0xFFFFFFE0 ss:$0x1], $0xffff;
	[tilespmem:v0+s19+$0xFFFFFFE0 ss:$0x1] =	vst.idx.msk $0xffff, v5  }
0x48: {  	v60 =	vld.idx.msk [tilespmem:v1+s18+$0xFFFFFFF0 ss:$0x1], $0xffff;
	[tilespmem:v0+s19+$0xFFFFFFF0 ss:$0x1] =	vst.idx.msk $0xffff, v7  }
0x49: {  	v61 =	vld.idx.msk [tilespmem:v1+s18+$0x0 ss:$0x1], $0xffff;
	[tilespmem:v0+s18+$0x0 ss:$0x1] =	vst.idx.msk $0xffff, v56  }
0x4a: {  	v62 =	vld.idx.msk [tilespmem:v1+s18+$0x10 ss:$0x1], $0xffff;
	[tilespmem:v0+s18+$0xFFFFFF90 ss:$0x1] =	vst.idx.msk $0xffff, v57  }
0x4b: {  	s16 =	sshll.u32 s16, $0x7;
	v63 =	vld.idx.msk [tilespmem:v1+s18+$0x20 ss:$0x1], $0xffff;
	s29 =	sand.u32 $0x78, s13;
	s30 =	sshll.u32 s13, $0x3;
	[tilespmem:v0+s18+$0xFFFFFFA0 ss:$0x1] =	vst.idx.msk $0xffff, v58  }
0x4c: {  	s15 =	sshll.u32 s15, $0x12;
	s14 =	sshll.u32 s14, $0x9;
	s16 =	sand.u32 $0x380, s16;
	[tilespmem:v0+s18+$0xFFFFFFB0 ss:$0x1] =	vst.idx.msk $0xffff, v59  }
.Ltmp4:
0x4d: {  	s16 =	sor.u32 s29, s16;
	s19 =	sand.u32 $0xC00, s30;
	[tilespmem:v0+s18+$0xFFFFFFC0 ss:$0x1] =	vst.idx.msk $0xffff, v60;
	(pc) =	sbr.rel .LBB1_5-.Ltmp4, $4  }
0x4e: {  	s31 =	sand.u32 $0x7, s13;
	s15 =	sadd.s32 s3, s15;
	[tilespmem:v0+s18+$0xFFFFFFD0 ss:$0x1] =	vst.idx.msk $0xffff, v61;
	s16 =	sor.u32 s19, s16  }
0x4f: {  	s13 =	sshll.u32 s31, $0x12;
	s14 =	sadd.s32 s14, s15;
	[tilespmem:v0+s18+$0xFFFFFFE0 ss:$0x1] =	vst.idx.msk $0xffff, v62;
	s16 =	sshrl.u32 s16, $0x3  }
0x50: {  	s13 =	sor.u32 $0x80, s13;
	[tilespmem:v0+s18+$0xFFFFFFF0 ss:$0x1] =	vst.idx.msk $0xffff, v63;
	s14 =	sadd.s32 s16, s14  }
0x51: {  	[hbm4b:s14+s13] =	stream.strided.scatter [tilespmem:s17], [sflag:$0x2], $0x4000, s7, s13, $0x38;
	[tilespmem:$0x10000] =	vst v63  }
.LBB1_6:
0x52: {  	_ =	sfence.sel $0x180000  }
0x53: {  	s2 =	simm.s32 $0x1;
	[bflag:$0x0] =	sbarrier.arrive $0xFFFF  }
0x54: {  	s31 =	simm.s32 $0x2;
	[sflag:s2] =	ssyncpa.u1 $0x1  }
0x55: {  	[sflag:s31] =	ssyncpa.u1 $0x1  }
0x56: {  	p0 =	sne.s32 s1, $0x0;
	_ =	strace $0x9000004A  }
0x57: {  	s0 =	sadd.s32 @!p0 $0x100000, s0;
	[bflag:$0x2] =	sbarrier.arrive $0xFFFF  }
0x58: {  	[sflag:s0] =	ssyncadd.tile.s32 @!p0 $0x1;
	_ =	shalt  }
.Lfunc_end1:
_tile_overlayer_lowered:
.L_overlay_start_2:
0x59: {  	(tag) =	ssettag $0x2  }
0x5a: {  	s0 =	rddreg [dreg:$0x0];
	s2 =	stileid.u32  }
0x5b: {  	s1 =	rddreg [dreg:$0x1];
	p0 =	sne.s32 s2, $0x0  }
0x5c: {  	s3 =	rddreg [dreg:$0x2];
	[bflag:$0x3] =	sbarrier.arrive $0xFFFF;
	s2 =	simm.s32 @!p0 $0x1C01  }
0x5d: {  	[timem:s3], [sflag:s2] =	dma.local @!p0 [hbm:s0], s1  }
0x5e: {  	s0 =	simm.s32 @!p0 $0x1  }
0x5f: {  	_ =	swait.ge @!p0 [sflag:s0], s1  }
0x60: {  	s1 =	ssub.s32 @!p0 $0x0, s1;
	[sflag:s0] =	ssyncset.done @!p0 $0x0  }
0x61: {  	[sflag:s0] =	ssyncadd.s32 @!p0 s1  }
0x62: {  	[bflag:$0x3] =	sbarrier.arrive $0xFFFF  }
0x63: {  	_ =	shalt  }

// kernel: sparse-core-data-format-call.2.cloned.1.call-start
scs
called_computation.2_lowered:
.L_overlay_start_0:
0x0: {  	s2 =	sld [smem:$0x3FD9]  }
0x1: {  	s3 =	sld [smem:$0x3FFE];
	_ =	sdelay $0x1  }
0x2: {  	s1 =	srdreg.scid  }
0x3: {  	s0 =	sand.u32 $0x1, s1  }
0x4: {  	s18 =	sshll.u32 s0, $0xA;
	s2 =	sadd.s32 s3, s2  }
0x5: {  	s2 =	sadd.s32 s2, s18  }
0x6: {  	[smem:$0x3FC5] =	sst s2  }
0x7: {  	_ = 	snop  }
0x8: {  	s19 =	sld [smem:$0x3FC9];
	(tm) =	ssettm $0x1  }
0x9: {  	s20 =	sld [smem:$0x3FFB];
	_ =	sdelay $0x3  }
0xa: {  	_ =	strace s20  }
0xb: {  	s2 =	sld [smem:$0x3FFC];
	_ =	sdelay $0x3  }
0xc: {  	_ =	strace s2  }
0xd: {  	s2 =	sld [smem:$0x3FFD];
	_ =	sdelay $0x3  }
0xe: {  	_ =	strace s2  }
0xf: {  	_ =	strace $0x8FFFFFFF  }
0x10: {  	s21 =	sld [smem:$0x3FDB];
	_ =	sdelay $0x1  }
0x11: {  	s4 =	simm.s32 $_scs_section_size  }
0x12: {  	s5 =	simm.s32 $_size__tile_overlayer_lowered;
	s6 =	simm.s32 $_tile_overlayer_lowered  }
0x13: {  	s7 =	simm.s32 $0x1BFF;
	s22 =	sshll.u32 s6, $0x1;
	s4 =	sadd.s32 s4, s21  }
0x14: {  	s23 =	simm.s32 $0x0;
	s5 =	sshll.u32 s5, $0x1;
	s6 =	sadd.s32 s22, s4  }
0x15: {  	[timem:s23], [sflag:s7] =	dma.local [hbm:s6], s5  }
0x16: {  	_ =	swait.ge [sflag:s7], s5  }
0x17: {  	s5 =	ssub.s32 $0x0, s5;
	[sflag:s7] =	ssyncset.done $0x0  }
0x18: {  	[sflag:s7] =	ssyncadd.s32 s5;
	_ =	sdelay $0x1  }
0x19: {  	s24 =	simm.s32 $0x1B8B  }
0x1a: {  	_ =	swait.ge [sflag:s24], $0x1  }
0x1b: {  	[sflag:s24] =	ssyncset.done $0x0  }
0x1c: {  	[sflag:s24] =	ssyncadd.s32 $0xFFFFFFFF  }
0x1d: {  	s5 =	sld [smem:$0x0]  }
0x1e: {  	s6 =	sand.u32 $0xFFFFFFFE, s1  }
0x1f: {  	p0 =	sne.s32 s1, s6  }
0x20: {  	s6 =	sshll.u32 @p0 s6, $0xE  }
0x21: {  	s6 =	sadd.s32 @p0 $0x11B8D, s6;
	s7 =	sshll.u32 @p0 s5, $0x11  }
0x22: {  	s6 =	sor.u32 @p0 s7, s6  }
0x23: {  	[sflag:s6] =	ssyncadd.remote.s32 @p0 $0x1;
	_ =	sdelay $0x1  }
0x24: {  	s6 =	simm.s32 @p0 $0x1B8D  }
0x25: {  	_ =	swait.eq @p0 [sflag:s6], $0x1  }
0x26: {  	[sflag:s6] =	ssyncadd.s32 @p0 $0xFFFFFFFF  }
0x27: {  	s7 =	sshll.u32 @!p0 s1, $0xE  }
0x28: {  	s7 =	sor.u32 @!p0 $0x4000, s7;
	s6 =	simm.s32 @!p0 $0x1B8D  }
0x29: {  	s5 =	sshll.u32 @!p0 s5, $0x11;
	s7 =	sadd.s32 @!p0 $0x11B8D, s7;
	_ =	swait.eq @!p0 [sflag:s6], $0x1  }
0x2a: {  	s5 =	sor.u32 @!p0 s5, s7;
	[sflag:s6] =	ssyncadd.s32 @!p0 $0xFFFFFFFF  }
0x2b: {  	s26 =	simm.s32 $0x1B8E;
	s25 =	sld [smem:$0x3FFE];
	[sflag:s5] =	ssyncadd.remote.s32 @!p0 $0x1  }
0x2c: {  	s27 =	simm.s32 $execute0_lowered;
	[smem:$0x3FD2] =	sst s26  }
0x2d: {  	s6 =	sshll.u32 s27, $0x1;
	_ =	strace $0x8000004C;
	[dreg:$0x1] =	wrdreg $0xFFFFFFFF  }
0x2e: {  	s28 =	simm.s32 $_size_execute0_lowered;
	s4 =	sadd.s32 s4, s6;
	[dreg:$0x0] =	wrdreg $0x0  }
0x2f: {  	s6 =	sshll.u32 s28, $0x1;
	[dreg:$0x2] =	wrdreg s4  }
0x30: {  	[dreg:$0x3] =	wrdreg s6  }
0x31: {  	[dreg:$0x4] =	wrdreg $0xC0  }
0x32: {  	_ =	task [dreg:s23], $0x5FFFF  }
0x33: {  	[dreg:$0x1] =	wrdreg $0xFFFFFFFF  }
0x34: {  	[dreg:$0x0] =	wrdreg $0x60  }
0x35: {  	[dreg:$0x2] =	wrdreg s19  }
0x36: {  	[dreg:$0x3] =	wrdreg s25  }
0x37: {  	[dreg:$0x4] =	wrdreg $0xB  }
0x38: {  	_ =	task.clear_ibuf [dreg:s23], $0x5FFFF;
	_ =	strace $0x9000004C  }
0x39: {  	s29 =	simm.s32 $0xB;
	_ =	strace $0x8000004E  }
0x3a: {  	_ =	swait.ge [sflag:s29], $0x1  }
0x3b: {  	[sflag:s29] =	ssyncadd.s32 $0xFFFFFFFF  }
0x3c: {  	_ =	strace $0x9000004E  }
0x3d: {  	_ =	sfence  }
0x3e: {  	s30 =	sld [smem:$0x0];
	_ =	sdelay $0x2  }
0x3f: {  	s31 =	sshll.u32 s1, $0xD;
	s1 =	sshrl.u32 s1, $0x2  }
0x40: {  	s4 =	sand.u32 $0x4000, s31;
	s1 =	sadd.s32 s1, s30  }
0x41: {  	s0 =	sor.u32 s4, s0;
	s1 =	sshll.u32 s1, $0x11  }
0x42: {  	s0 =	sor.u32 s1, s0  }
0x43: {  	s0 =	sadd.s32 $0x8F2B, s0  }
0x44: {  	[sflag:s0] =	ssyncadd.remote.s32 $0x1  }
0x45: {  	_ =	sfence.sel $0xFFFF  }
0x46: {  	[dreg:$0x0] =	wrdreg $0xFFFFFFFF;
	(pc) =	sbr.abs _section_cstart, $3  }
0x47: {  	[dreg:$0x1] =	wrdreg $0xFFFFFFFF  }
0x48: {  	_ =	task.clear_ibuf [dreg:s23], $0x2FFFF;
	_ =	strace $0x9FFFFFFF  }
0x49: {  	(tm) =	ssettm $0x7FFFFFFF  }
tec
execute0_lowered:
.L_overlay_start_1:
0x0: {  	(tag) =	ssettag $0x1  }
0x1: {  	s2 =	rddreg [dreg:$0x0]  }
0x2: {  	s1 =	rddreg [dreg:$0x1]  }
0x3: {  	s0 =	rddreg [dreg:$0x2];
	s4 =	srdreg.scid  }
0x4: {  	_ =	strace $0x8000004D;
	s7 =	simm.s32 $0x2;
	s13 =	simm.s32 $0x0  }
0x5: {  	p0 =	por $0x0, $0x0;
	s14 =	simm.s32 $0x0;
	s16 =	simm.s32 $0x0  }
0x6: {  	s15 =	simm.s32 $0x0;
	s9 =	simm.s32 $0x0;
	s10 =	simm.s32 $0x0  }
.Ltmp0:
0x7: {  	s3 =	sadd.s32 $0x200000, s1;
	s4 =	sshll.u32 s4, $0x4;
	(pc) =	sbr.rel .LBB1_1-.Ltmp0, $4  }
0x8: {  	s1 =	stileid.u32;
	s5 =	sand.u32 $0x10, s4;
	s4 =	simm.s32 $0x1  }
0x9: {  	s8 =	simm.s32 $0x0;
	s6 =	sor.u32 s1, s5;
	[sflag:s4] =	ssyncpa.u1 $0x0  }
0xa: {  	s5 =	sand.u32 $0x3, s1;
	s6 =	sshrl.u32 s6, $0x2;
	[sflag:s7] =	ssyncpa.u1 $0x0  }
0xb: {  	s7 =	simm.s32 $0x1000;
	s12 =	smov.u32 s5;
	s11 =	smov.u32 s6  }
.LBB1_5:
0xc: {  	s17 =	sadd.s32 $0x80, s9  }
0xd: {  	s13 =	sadd.s32 $0x80, s10;
	s18 =	smov.u32 s10;
	p2 =	sgt.s32 s17, $0x1FF  }
0xe: {  	s18 =	smov.u32 @p2 s13  }
0xf: {  	s19 =	smov.u32 s11;
	s13 =	sadd.s32 $0x8, s11;
	p3 =	sgt.s32 s18, $0x1FF  }
0x10: {  	s19 =	smov.u32 @p3 s13  }
0x11: {  	s20 =	smov.u32 s12;
	s13 =	sadd.s32 $0x4, s12;
	p4 =	sgt.s32 s19, $0x7  }
0x12: {  	p1 =	slt.u32 s8, $0x2;
	s20 =	smov.u32 @p4 s13  }
0x13: {  	s8 =	sadd.s32 $0x1, s8;
	s17 =	simm.s32 @p2 $0x0;
	p2 =	sgt.s32 s20, $0x3  }
0x14: {  	s21 =	simm.s32 @!p1 $0x2;
	s20 =	smov.u32 @p2 s5;
	p2 =	sne.s32 s8, $0x12  }
.Ltmp1:
0x15: {  	s14 =	smov.u32 s10;
	_ =	swait.ge @!p1 [sflag:s21], $0x4000;
	(pc) =	sbr.rel @!p2 .LBB1_6-.Ltmp1, $4  }
0x16: {  	s16 =	smov.u32 s11;
	s15 =	smov.u32 s12;
	[sflag:s21] =	ssyncset.done @!p1 $0x0  }
0x17: {  	p0 =	por !p0, !p0;
	s18 =	simm.s32 @p3 $0x0;
	[sflag:s21] =	ssyncadd.s32 @!p1 $0xFFFFC000  }
0x18: {  	s10 =	smov.u32 s18;
	s19 =	smov.u32 @p4 s6;
	s13 =	smov.u32 s9  }
0x19: {  	s9 =	smov.u32 s17;
	s11 =	smov.u32 s19;
	s12 =	smov.u32 s20  }
.LBB1_1:
0x1a: {  	p1 =	sgt.u32 s8, $0xF  }
0x1b: {  	s17 =	sxor.u32 @!p1 $0xFFFFFFFF, s8;
	s18 =	sand.u32 @!p1 $0x78, s9;
	s19 =	sshll.u32 @!p1 s10, $0x9  }
0x1c: {  	s20 =	sshll.u32 @!p1 s9, $0x3;
	s21 =	sshll.u32 @!p1 s10, $0x7;
	s17 =	sshll.u32 @!p1 s17, $0xE  }
0x1d: {  	s19 =	sand.u32 @!p1 $0x3F000, s19;
	s20 =	sand.u32 @!p1 $0x3FC00, s20;
	s17 =	sand.u32 @!p1 $0x4000, s17  }
0x1e: {  	s19 =	sadd.s32 @!p1 s19, s20;
	s20 =	sand.u32 @!p1 $0x200, s21;
	s21 =	sand.u32 @!p1 $0x180, s21  }
0x1f: {  	s19 =	sor.u32 @!p1 s20, s19;
	s18 =	sor.u32 @!p1 s18, s21;
	s20 =	sshll.u32 @!p1 s12, $0x12  }
0x20: {  	s21 =	sshll.u32 @!p1 s11, $0xF;
	s19 =	sshrl.u32 @!p1 s19, $0x3;
	s20 =	sadd.s32 @!p1 s2, s20  }
0x21: {  	s18 =	sshrl.u32 @!p1 s18, $0x3;
	s20 =	sadd.s32 @!p1 s21, s20;
	s21 =	sand.u32 @!p1 $0x7, s9  }
0x22: {  	s19 =	sand.u32 @!p1 $0x7FC0, s19;
	s18 =	sadd.s32 @!p1 s18, s20;
	s20 =	sshll.u32 @!p1 s21, $0x12  }
0x23: {  	s18 =	sadd.s32 @!p1 s19, s18;
	s19 =	sor.u32 @!p1 $0x400, s20;
	s20 =	simm.s32 @!p1 $0x1000  }
0x24: {  	[tilespmem:s17], [sflag:$0x1] =	stream.strided.gather @!p1 [hbm4b:s18+s19], $0x4000, s20, s19, $0x38;
	[tilespmem:$0x10000] =	vst v63  }
0x25: {  	p1 =	seq.s32 s8, $0x0  }
0x26: {  	p2 =	seq.s32 @!p1 s8, $0x11  }
0x27: {  	p1 =	por p1, p2  }
.Ltmp2:
0x28: {  	_ = 	snop;
	(pc) =	sbr.rel @p1 .LBB1_5-.Ltmp2, $1  }
0x29: {  	_ =	sdelay $0x3  }
0x2a: {  	s17 =	simm.s32 $0x1  }
0x2b: {  	s17 =	simm.s32 @!p0 $0x0  }
0x2c: {  	s17 =	sshll.u32 s17, $0xE  }
0x2d: {  	s18 =	sor.u32 $0x40, s17  }
0x2e: {  	v1 =	vmov s18;
	_ =	sdelay $0x1  }
0x2f: {  	_ =	swait.ge [sflag:s4], $0x4000  }
0x30: {  	[sflag:s4] =	ssyncset.done $0x0  }
0x31: {  	s19 =	simm.s32 $0x0;
	[sflag:s4] =	ssyncadd.s32 $0xFFFFC000  }
0x32: {  	s17 =	sor.u32 $0x8070, s17;
	v7 =	vld.idx.msk [tilespmem:v1+s19+$0x30 ss:$0x1], $0xffff  }
0x33: {  	v0 =	vmov s17;
	v8 =	vld.idx.msk [tilespmem:v1+s19+$0xFFFFFFC0 ss:$0x1], $0xffff  }
0x34: {  	v6 =	vld.idx.msk [tilespmem:v1+s19+$0xFFFFFFD0 ss:$0x1], $0xffff  }
0x35: {  	v4 =	vld.idx.msk [tilespmem:v1+s19+$0xFFFFFFE0 ss:$0x1], $0xffff  }
0x36: {  	v2 =	vld.idx.msk [tilespmem:v1+s19+$0xFFFFFFF0 ss:$0x1], $0xffff  }
0x37: {  	s31 =	sshll.u32 s8, $0xE;
	v3 =	vld.idx.msk [tilespmem:v1+s19+$0x0 ss:$0x1], $0xffff  }
0x38: {  	s17 =	sand.u32 $0x4000, s31;
	v5 =	vld.idx.msk [tilespmem:v1+s19+$0x10 ss:$0x1], $0xffff;
	[tilespmem:v0+s19+$0x0 ss:$0x1] =	vst.idx.msk $0xffff, v7  }
0x39: {  	s20 =	simm.s32 $0x400;
	s18 =	simm.s32 $0x80;
	s17 =	sor.u32 $0x8000, s17;
	[tilespmem:v0+s19+$0xFFFFFF90 ss:$0x1] =	vst.idx.msk $0xffff, v8;
	v7 =	vld.idx.msk [tilespmem:v1+s19+$0x20 ss:$0x1], $0xffff  }
.LBB1_3:
0x3a: {  	p1 =	sne.s32 s20, $0xFE00;
	v8 =	vld.idx.msk [tilespmem:v1+s18+$0x30 ss:$0x1], $0xffff;
	[tilespmem:v0+s19+$0xFFFFFFA0 ss:$0x1] =	vst.idx.msk $0xffff, v6  }
0x3b: {  	v9 =	vld.idx.msk [tilespmem:v1+s18+$0xFFFFFFC0 ss:$0x1], $0xffff;
	[tilespmem:v0+s19+$0xFFFFFFB0 ss:$0x1] =	vst.idx.msk $0xffff, v4  }
0x3c: {  	v6 =	vld.idx.msk [tilespmem:v1+s18+$0xFFFFFFD0 ss:$0x1], $0xffff;
	[tilespmem:v0+s19+$0xFFFFFFC0 ss:$0x1] =	vst.idx.msk $0xffff, v2  }
.Ltmp3:
0x3d: {  	v4 =	vld.idx.msk [tilespmem:v1+s18+$0xFFFFFFE0 ss:$0x1], $0xffff;
	[tilespmem:v0+s19+$0xFFFFFFD0 ss:$0x1] =	vst.idx.msk $0xffff, v3;
	(pc) =	sbr.rel @p1 .LBB1_3-.Ltmp3, $4  }
0x3e: {  	v2 =	vld.idx.msk [tilespmem:v1+s18+$0xFFFFFFF0 ss:$0x1], $0xffff;
	[tilespmem:v0+s19+$0xFFFFFFE0 ss:$0x1] =	vst.idx.msk $0xffff, v5  }
0x3f: {  	v3 =	vld.idx.msk [tilespmem:v1+s18+$0x0 ss:$0x1], $0xffff;
	[tilespmem:v0+s19+$0xFFFFFFF0 ss:$0x1] =	vst.idx.msk $0xffff, v7;
	s19 =	smov.u32 s18  }
0x40: {  	v5 =	vld.idx.msk [tilespmem:v1+s19+$0x10 ss:$0x1], $0xffff;
	[tilespmem:v0+s19+$0x0 ss:$0x1] =	vst.idx.msk $0xffff, v8  }
0x41: {  	s18 =	sshra.s32 s20, $0x2;
	s20 =	sadd.s32 $0x200, s20;
	[tilespmem:v0+s19+$0xFFFFFF90 ss:$0x1] =	vst.idx.msk $0xffff, v9;
	v7 =	vld.idx.msk [tilespmem:v1+s19+$0x20 ss:$0x1], $0xffff  }
0x42: {  	_ =	sdelay $0x3  }
0x43: {  	[tilespmem:v0+s19+$0xFFFFFFA0 ss:$0x1] =	vst.idx.msk $0xffff, v6  }
0x44: {  	v56 =	vld.idx.msk [tilespmem:v1+s18+$0x30 ss:$0x1], $0xffff;
	[tilespmem:v0+s19+$0xFFFFFFB0 ss:$0x1] =	vst.idx.msk $0xffff, v4  }
0x45: {  	v57 =	vld.idx.msk [tilespmem:v1+s18+$0xFFFFFFC0 ss:$0x1], $0xffff;
	[tilespmem:v0+s19+$0xFFFFFFC0 ss:$0x1] =	vst.idx.msk $0xffff, v2  }
0x46: {  	v58 =	vld.idx.msk [tilespmem:v1+s18+$0xFFFFFFD0 ss:$0x1], $0xffff;
	[tilespmem:v0+s19+$0xFFFFFFD0 ss:$0x1] =	vst.idx.msk $0xffff, v3  }
0x47: {  	v59 =	vld.idx.msk [tilespmem:v1+s18+$0xFFFFFFE0 ss:$0x1], $0xffff;
	[tilespmem:v0+s19+$0xFFFFFFE0 ss:$0x1] =	vst.idx.msk $0xffff, v5  }
0x48: {  	v60 =	vld.idx.msk [tilespmem:v1+s18+$0xFFFFFFF0 ss:$0x1], $0xffff;
	[tilespmem:v0+s19+$0xFFFFFFF0 ss:$0x1] =	vst.idx.msk $0xffff, v7  }
0x49: {  	v61 =	vld.idx.msk [tilespmem:v1+s18+$0x0 ss:$0x1], $0xffff;
	[tilespmem:v0+s18+$0x0 ss:$0x1] =	vst.idx.msk $0xffff, v56  }
0x4a: {  	v62 =	vld.idx.msk [tilespmem:v1+s18+$0x10 ss:$0x1], $0xffff;
	[tilespmem:v0+s18+$0xFFFFFF90 ss:$0x1] =	vst.idx.msk $0xffff, v57  }
0x4b: {  	s16 =	sshll.u32 s16, $0x7;
	v63 =	vld.idx.msk [tilespmem:v1+s18+$0x20 ss:$0x1], $0xffff;
	s29 =	sand.u32 $0x78, s13;
	s30 =	sshll.u32 s13, $0x3;
	[tilespmem:v0+s18+$0xFFFFFFA0 ss:$0x1] =	vst.idx.msk $0xffff, v58  }
0x4c: {  	s15 =	sshll.u32 s15, $0x12;
	s14 =	sshll.u32 s14, $0x9;
	s16 =	sand.u32 $0x380, s16;
	[tilespmem:v0+s18+$0xFFFFFFB0 ss:$0x1] =	vst.idx.msk $0xffff, v59  }
.Ltmp4:
0x4d: {  	s16 =	sor.u32 s29, s16;
	s19 =	sand.u32 $0xC00, s30;
	[tilespmem:v0+s18+$0xFFFFFFC0 ss:$0x1] =	vst.idx.msk $0xffff, v60;
	(pc) =	sbr.rel .LBB1_5-.Ltmp4, $4  }
0x4e: {  	s31 =	sand.u32 $0x7, s13;
	s15 =	sadd.s32 s3, s15;
	[tilespmem:v0+s18+$0xFFFFFFD0 ss:$0x1] =	vst.idx.msk $0xffff, v61;
	s16 =	sor.u32 s19, s16  }
0x4f: {  	s13 =	sshll.u32 s31, $0x12;
	s14 =	sadd.s32 s14, s15;
	[tilespmem:v0+s18+$0xFFFFFFE0 ss:$0x1] =	vst.idx.msk $0xffff, v62;
	s16 =	sshrl.u32 s16, $0x3  }
0x50: {  	s13 =	sor.u32 $0x80, s13;
	[tilespmem:v0+s18+$0xFFFFFFF0 ss:$0x1] =	vst.idx.msk $0xffff, v63;
	s14 =	sadd.s32 s16, s14  }
0x51: {  	[hbm4b:s14+s13] =	stream.strided.scatter [tilespmem:s17], [sflag:$0x2], $0x4000, s7, s13, $0x38;
	[tilespmem:$0x10000] =	vst v63  }
.LBB1_6:
0x52: {  	_ =	sfence.sel $0x180000  }
0x53: {  	s2 =	simm.s32 $0x1;
	[bflag:$0x0] =	sbarrier.arrive $0xFFFF  }
0x54: {  	s31 =	simm.s32 $0x2;
	[sflag:s2] =	ssyncpa.u1 $0x1  }
0x55: {  	[sflag:s31] =	ssyncpa.u1 $0x1  }
0x56: {  	p0 =	sne.s32 s1, $0x0;
	_ =	strace $0x9000004D  }
0x57: {  	s0 =	sadd.s32 @!p0 $0x100000, s0;
	[bflag:$0x2] =	sbarrier.arrive $0xFFFF  }
0x58: {  	[sflag:s0] =	ssyncadd.tile.s32 @!p0 $0x1;
	_ =	shalt  }
.Lfunc_end1:
_tile_overlayer_lowered:
.L_overlay_start_2:
0x59: {  	(tag) =	ssettag $0x2  }
0x5a: {  	s0 =	rddreg [dreg:$0x0];
	s2 =	stileid.u32  }
0x5b: {  	s1 =	rddreg [dreg:$0x1];
	p0 =	sne.s32 s2, $0x0  }
0x5c: {  	s3 =	rddreg [dreg:$0x2];
	[bflag:$0x3] =	sbarrier.arrive $0xFFFF;
	s2 =	simm.s32 @!p0 $0x1C01  }
0x5d: {  	[timem:s3], [sflag:s2] =	dma.local @!p0 [hbm:s0], s1  }
0x5e: {  	s0 =	simm.s32 @!p0 $0x1  }
0x5f: {  	_ =	swait.ge @!p0 [sflag:s0], s1  }
0x60: {  	s1 =	ssub.s32 @!p0 $0x0, s1;
	[sflag:s0] =	ssyncset.done @!p0 $0x0  }
0x61: {  	[sflag:s0] =	ssyncadd.s32 @!p0 s1  }
0x62: {  	[bflag:$0x3] =	sbarrier.arrive $0xFFFF  }
0x63: {  	_ =	shalt  }

// kernel: sparse-core-data-format-call.cloned.1.call-start
scs
called_computation_lowered:
.L_overlay_start_0:
0x0: {  	s2 =	sld [smem:$0x3FD9]  }
0x1: {  	s3 =	sld [smem:$0x3FFE];
	_ =	sdelay $0x1  }
0x2: {  	s1 =	srdreg.scid  }
0x3: {  	s0 =	sand.u32 $0x1, s1  }
0x4: {  	s18 =	sshll.u32 s0, $0xA;
	s2 =	sadd.s32 s3, s2  }
0x5: {  	s2 =	sadd.s32 s2, s18  }
0x6: {  	[smem:$0x3FC5] =	sst s2  }
0x7: {  	_ = 	snop  }
0x8: {  	s2 =	sld [smem:$0x3FC7];
	(tm) =	ssettm $0x1  }
0x9: {  	s19 =	sld [smem:$0x3FFB];
	_ =	sdelay $0x3  }
0xa: {  	_ =	strace s19  }
0xb: {  	s3 =	sld [smem:$0x3FFC];
	_ =	sdelay $0x3  }
0xc: {  	_ =	strace s3  }
0xd: {  	s3 =	sld [smem:$0x3FFD];
	_ =	sdelay $0x3  }
0xe: {  	_ =	strace s3  }
0xf: {  	_ =	strace $0x8FFFFFFF  }
0x10: {  	s20 =	sld [smem:$0x3FDB];
	_ =	sdelay $0x1  }
0x11: {  	s4 =	simm.s32 $_scs_section_size  }
0x12: {  	s5 =	simm.s32 $_size__tile_overlayer_lowered;
	s6 =	simm.s32 $_tile_overlayer_lowered  }
0x13: {  	s23 =	simm.s32 $0x1BFF;
	s22 =	sshll.u32 s6, $0x1;
	s3 =	sadd.s32 s4, s20  }
0x14: {  	s7 =	simm.s32 $0x0;
	s21 =	sshll.u32 s5, $0x1;
	s5 =	sadd.s32 s22, s3  }
0x15: {  	[timem:s7], [sflag:s23] =	dma.local [hbm:s5], s21  }
0x16: {  	_ =	swait.ge [sflag:s23], s21  }
0x17: {  	s4 =	ssub.s32 $0x0, s21;
	[sflag:s23] =	ssyncset.done $0x0  }
0x18: {  	[sflag:s23] =	ssyncadd.s32 s4;
	_ =	sdelay $0x1  }
0x19: {  	s24 =	simm.s32 $0x1B8B  }
0x1a: {  	_ =	swait.ge [sflag:s24], $0x1  }
0x1b: {  	[sflag:s24] =	ssyncset.done $0x0  }
0x1c: {  	s26 =	simm.s32 $0x1B8E;
	s25 =	sld [smem:$0x3FFE];
	[sflag:s24] =	ssyncadd.s32 $0xFFFFFFFF  }
0x1d: {  	s27 =	simm.s32 $execute0_lowered;
	[smem:$0x3FD2] =	sst s26  }
0x1e: {  	s5 =	sshll.u32 s27, $0x1;
	_ =	strace $0x80000046;
	[dreg:$0x1] =	wrdreg $0xFFFFFFFF  }
0x1f: {  	s28 =	simm.s32 $_size_execute0_lowered;
	s3 =	sadd.s32 s3, s5;
	[dreg:$0x0] =	wrdreg $0x0  }
0x20: {  	s5 =	sshll.u32 s28, $0x1;
	[dreg:$0x2] =	wrdreg s3  }
0x21: {  	[dreg:$0x3] =	wrdreg s5  }
0x22: {  	[dreg:$0x4] =	wrdreg $0xC0  }
0x23: {  	_ =	task [dreg:s7], $0x5FFFF  }
0x24: {  	[dreg:$0x1] =	wrdreg $0xFFFFFFFF  }
0x25: {  	[dreg:$0x0] =	wrdreg $0x60  }
0x26: {  	[dreg:$0x2] =	wrdreg s2  }
0x27: {  	[dreg:$0x3] =	wrdreg s25  }
0x28: {  	[dreg:$0x4] =	wrdreg $0x9  }
0x29: {  	_ =	task.clear_ibuf [dreg:s7], $0x5FFFF;
	_ =	strace $0x90000046  }
0x2a: {  	s29 =	simm.s32 $0x9;
	_ =	strace $0x80000048  }
0x2b: {  	_ =	swait.ge [sflag:s29], $0x1  }
0x2c: {  	[sflag:s29] =	ssyncadd.s32 $0xFFFFFFFF  }
0x2d: {  	_ =	strace $0x90000048  }
0x2e: {  	_ =	sfence  }
0x2f: {  	s30 =	sld [smem:$0x0];
	_ =	sdelay $0x2  }
0x30: {  	s31 =	sshll.u32 s1, $0xD;
	s1 =	sshrl.u32 s1, $0x2  }
0x31: {  	s3 =	sand.u32 $0x4000, s31;
	s1 =	sadd.s32 s1, s30  }
0x32: {  	s0 =	sor.u32 s3, s0;
	s1 =	sshll.u32 s1, $0x11  }
0x33: {  	s0 =	sor.u32 s1, s0  }
0x34: {  	s0 =	sadd.s32 $0x8F2B, s0  }
0x35: {  	[sflag:s0] =	ssyncadd.remote.s32 $0x1  }
0x36: {  	_ =	sfence.sel $0xFFFF  }
0x37: {  	[dreg:$0x0] =	wrdreg $0xFFFFFFFF;
	(pc) =	sbr.abs _section_cstart, $3  }
0x38: {  	[dreg:$0x1] =	wrdreg $0xFFFFFFFF  }
0x39: {  	_ =	task.clear_ibuf [dreg:s7], $0x2FFFF;
	_ =	strace $0x9FFFFFFF  }
0x3a: {  	(tm) =	ssettm $0x7FFFFFFF  }
0x3b: {  	_ =	shalt  }
tec
execute0_lowered:
.L_overlay_start_1:
0x0: {  	(tag) =	ssettag $0x1  }
0x1: {  	s2 =	rddreg [dreg:$0x0]  }
0x2: {  	s3 =	rddreg [dreg:$0x1]  }
0x3: {  	s0 =	rddreg [dreg:$0x2]  }
0x4: {  	s1 =	srdreg.scid;
	_ =	strace $0x80000047;
	s7 =	simm.s32 $0x2  }
0x5: {  	s13 =	simm.s32 $0x0;
	p0 =	por $0x0, $0x0;
	s14 =	simm.s32 $0x0  }
0x6: {  	s16 =	simm.s32 $0x0;
	s15 =	simm.s32 $0x0;
	s9 =	simm.s32 $0x0  }
.Ltmp0:
0x7: {  	s10 =	simm.s32 $0x0;
	s4 =	sshll.u32 s1, $0x4;
	(pc) =	sbr.rel .LBB1_1-.Ltmp0, $4  }
0x8: {  	s1 =	stileid.u32;
	s5 =	sand.u32 $0x10, s4;
	s4 =	simm.s32 $0x1  }
0x9: {  	s8 =	simm.s32 $0x0;
	s6 =	sor.u32 s1, s5;
	[sflag:s4] =	ssyncpa.u1 $0x0  }
0xa: {  	s5 =	sand.u32 $0x3, s1;
	s6 =	sshrl.u32 s6, $0x2;
	[sflag:s7] =	ssyncpa.u1 $0x0  }
0xb: {  	s7 =	simm.s32 $0x1000;
	s12 =	smov.u32 s5;
	s11 =	smov.u32 s6  }
.LBB1_5:
0xc: {  	s17 =	sadd.s32 $0x80, s9  }
0xd: {  	s13 =	sadd.s32 $0x80, s10;
	s18 =	smov.u32 s10;
	p2 =	sgt.s32 s17, $0x1FF  }
0xe: {  	s18 =	smov.u32 @p2 s13  }
0xf: {  	s19 =	smov.u32 s11;
	s13 =	sadd.s32 $0x8, s11;
	p3 =	sgt.s32 s18, $0x1FF  }
0x10: {  	s19 =	smov.u32 @p3 s13  }
0x11: {  	s20 =	smov.u32 s12;
	s13 =	sadd.s32 $0x4, s12;
	p4 =	sgt.s32 s19, $0x7  }
0x12: {  	p1 =	slt.u32 s8, $0x2;
	s20 =	smov.u32 @p4 s13  }
0x13: {  	s8 =	sadd.s32 $0x1, s8;
	s17 =	simm.s32 @p2 $0x0;
	p2 =	sgt.s32 s20, $0x3  }
0x14: {  	s21 =	simm.s32 @!p1 $0x2;
	s20 =	smov.u32 @p2 s5;
	p2 =	sne.s32 s8, $0x12  }
.Ltmp1:
0x15: {  	s14 =	smov.u32 s10;
	_ =	swait.ge @!p1 [sflag:s21], $0x4000;
	(pc) =	sbr.rel @!p2 .LBB1_6-.Ltmp1, $4  }
0x16: {  	s16 =	smov.u32 s11;
	s15 =	smov.u32 s12;
	[sflag:s21] =	ssyncset.done @!p1 $0x0  }
0x17: {  	p0 =	por !p0, !p0;
	s18 =	simm.s32 @p3 $0x0;
	[sflag:s21] =	ssyncadd.s32 @!p1 $0xFFFFC000  }
0x18: {  	s10 =	smov.u32 s18;
	s19 =	smov.u32 @p4 s6;
	s13 =	smov.u32 s9  }
0x19: {  	s9 =	smov.u32 s17;
	s11 =	smov.u32 s19;
	s12 =	smov.u32 s20  }
.LBB1_1:
0x1a: {  	p1 =	sgt.u32 s8, $0xF  }
0x1b: {  	s17 =	sxor.u32 @!p1 $0xFFFFFFFF, s8;
	s18 =	sand.u32 @!p1 $0x78, s9;
	s19 =	sshll.u32 @!p1 s10, $0x9  }
0x1c: {  	s20 =	sshll.u32 @!p1 s9, $0x3;
	s21 =	sshll.u32 @!p1 s10, $0x7;
	s17 =	sshll.u32 @!p1 s17, $0xE  }
0x1d: {  	s19 =	sand.u32 @!p1 $0x3F000, s19;
	s20 =	sand.u32 @!p1 $0x3FC00, s20;
	s17 =	sand.u32 @!p1 $0x4000, s17  }
0x1e: {  	s19 =	sadd.s32 @!p1 s19, s20;
	s20 =	sand.u32 @!p1 $0x200, s21;
	s21 =	sand.u32 @!p1 $0x180, s21  }
0x1f: {  	s19 =	sor.u32 @!p1 s20, s19;
	s18 =	sor.u32 @!p1 s18, s21;
	s20 =	sshll.u32 @!p1 s12, $0x12  }
0x20: {  	s21 =	sshll.u32 @!p1 s11, $0xF;
	s19 =	sshrl.u32 @!p1 s19, $0x3;
	s20 =	sadd.s32 @!p1 s2, s20  }
0x21: {  	s18 =	sshrl.u32 @!p1 s18, $0x3;
	s20 =	sadd.s32 @!p1 s21, s20;
	s21 =	sand.u32 @!p1 $0x7, s9  }
0x22: {  	s19 =	sand.u32 @!p1 $0x7FC0, s19;
	s18 =	sadd.s32 @!p1 s18, s20;
	s20 =	sshll.u32 @!p1 s21, $0x12  }
0x23: {  	s18 =	sadd.s32 @!p1 s19, s18;
	s19 =	sor.u32 @!p1 $0x400, s20;
	s20 =	simm.s32 @!p1 $0x1000  }
0x24: {  	[tilespmem:s17], [sflag:$0x1] =	stream.strided.gather @!p1 [hbm4b:s18+s19], $0x4000, s20, s19, $0x38;
	[tilespmem:$0x10000] =	vst v63  }
0x25: {  	p1 =	seq.s32 s8, $0x0  }
0x26: {  	p2 =	seq.s32 @!p1 s8, $0x11  }
0x27: {  	p1 =	por p1, p2  }
.Ltmp2:
0x28: {  	_ = 	snop;
	(pc) =	sbr.rel @p1 .LBB1_5-.Ltmp2, $1  }
0x29: {  	_ =	sdelay $0x3  }
0x2a: {  	s17 =	simm.s32 $0x1  }
0x2b: {  	s17 =	simm.s32 @!p0 $0x0  }
0x2c: {  	s17 =	sshll.u32 s17, $0xE  }
0x2d: {  	s18 =	sor.u32 $0x40, s17  }
0x2e: {  	v1 =	vmov s18;
	_ =	sdelay $0x1  }
0x2f: {  	_ =	swait.ge [sflag:s4], $0x4000  }
0x30: {  	[sflag:s4] =	ssyncset.done $0x0  }
0x31: {  	s19 =	simm.s32 $0x0;
	[sflag:s4] =	ssyncadd.s32 $0xFFFFC000  }
0x32: {  	s17 =	sor.u32 $0x8070, s17;
	v7 =	vld.idx.msk [tilespmem:v1+s19+$0x30 ss:$0x1], $0xffff  }
0x33: {  	v0 =	vmov s17;
	v8 =	vld.idx.msk [tilespmem:v1+s19+$0xFFFFFFC0 ss:$0x1], $0xffff  }
0x34: {  	v6 =	vld.idx.msk [tilespmem:v1+s19+$0xFFFFFFD0 ss:$0x1], $0xffff  }
0x35: {  	v4 =	vld.idx.msk [tilespmem:v1+s19+$0xFFFFFFE0 ss:$0x1], $0xffff  }
0x36: {  	v2 =	vld.idx.msk [tilespmem:v1+s19+$0xFFFFFFF0 ss:$0x1], $0xffff  }
0x37: {  	s31 =	sshll.u32 s8, $0xE;
	v3 =	vld.idx.msk [tilespmem:v1+s19+$0x0 ss:$0x1], $0xffff  }
0x38: {  	s17 =	sand.u32 $0x4000, s31;
	v5 =	vld.idx.msk [tilespmem:v1+s19+$0x10 ss:$0x1], $0xffff;
	[tilespmem:v0+s19+$0x0 ss:$0x1] =	vst.idx.msk $0xffff, v7  }
0x39: {  	s20 =	simm.s32 $0x400;
	s18 =	simm.s32 $0x80;
	s17 =	sor.u32 $0x8000, s17;
	[tilespmem:v0+s19+$0xFFFFFF90 ss:$0x1] =	vst.idx.msk $0xffff, v8;
	v7 =	vld.idx.msk [tilespmem:v1+s19+$0x20 ss:$0x1], $0xffff  }
.LBB1_3:
0x3a: {  	p1 =	sne.s32 s20, $0xFE00;
	v8 =	vld.idx.msk [tilespmem:v1+s18+$0x30 ss:$0x1], $0xffff;
	[tilespmem:v0+s19+$0xFFFFFFA0 ss:$0x1] =	vst.idx.msk $0xffff, v6  }
0x3b: {  	v9 =	vld.idx.msk [tilespmem:v1+s18+$0xFFFFFFC0 ss:$0x1], $0xffff;
	[tilespmem:v0+s19+$0xFFFFFFB0 ss:$0x1] =	vst.idx.msk $0xffff, v4  }
0x3c: {  	v6 =	vld.idx.msk [tilespmem:v1+s18+$0xFFFFFFD0 ss:$0x1], $0xffff;
	[tilespmem:v0+s19+$0xFFFFFFC0 ss:$0x1] =	vst.idx.msk $0xffff, v2  }
.Ltmp3:
0x3d: {  	v4 =	vld.idx.msk [tilespmem:v1+s18+$0xFFFFFFE0 ss:$0x1], $0xffff;
	[tilespmem:v0+s19+$0xFFFFFFD0 ss:$0x1] =	vst.idx.msk $0xffff, v3;
	(pc) =	sbr.rel @p1 .LBB1_3-.Ltmp3, $4  }
0x3e: {  	v2 =	vld.idx.msk [tilespmem:v1+s18+$0xFFFFFFF0 ss:$0x1], $0xffff;
	[tilespmem:v0+s19+$0xFFFFFFE0 ss:$0x1] =	vst.idx.msk $0xffff, v5  }
0x3f: {  	v3 =	vld.idx.msk [tilespmem:v1+s18+$0x0 ss:$0x1], $0xffff;
	[tilespmem:v0+s19+$0xFFFFFFF0 ss:$0x1] =	vst.idx.msk $0xffff, v7;
	s19 =	smov.u32 s18  }
0x40: {  	v5 =	vld.idx.msk [tilespmem:v1+s19+$0x10 ss:$0x1], $0xffff;
	[tilespmem:v0+s19+$0x0 ss:$0x1] =	vst.idx.msk $0xffff, v8  }
0x41: {  	s18 =	sshra.s32 s20, $0x2;
	s20 =	sadd.s32 $0x200, s20;
	[tilespmem:v0+s19+$0xFFFFFF90 ss:$0x1] =	vst.idx.msk $0xffff, v9;
	v7 =	vld.idx.msk [tilespmem:v1+s19+$0x20 ss:$0x1], $0xffff  }
0x42: {  	_ =	sdelay $0x3  }
0x43: {  	[tilespmem:v0+s19+$0xFFFFFFA0 ss:$0x1] =	vst.idx.msk $0xffff, v6  }
0x44: {  	v56 =	vld.idx.msk [tilespmem:v1+s18+$0x30 ss:$0x1], $0xffff;
	[tilespmem:v0+s19+$0xFFFFFFB0 ss:$0x1] =	vst.idx.msk $0xffff, v4  }
0x45: {  	v57 =	vld.idx.msk [tilespmem:v1+s18+$0xFFFFFFC0 ss:$0x1], $0xffff;
	[tilespmem:v0+s19+$0xFFFFFFC0 ss:$0x1] =	vst.idx.msk $0xffff, v2  }
0x46: {  	v58 =	vld.idx.msk [tilespmem:v1+s18+$0xFFFFFFD0 ss:$0x1], $0xffff;
	[tilespmem:v0+s19+$0xFFFFFFD0 ss:$0x1] =	vst.idx.msk $0xffff, v3  }
0x47: {  	v59 =	vld.idx.msk [tilespmem:v1+s18+$0xFFFFFFE0 ss:$0x1], $0xffff;
	[tilespmem:v0+s19+$0xFFFFFFE0 ss:$0x1] =	vst.idx.msk $0xffff, v5  }
0x48: {  	v60 =	vld.idx.msk [tilespmem:v1+s18+$0xFFFFFFF0 ss:$0x1], $0xffff;
	[tilespmem:v0+s19+$0xFFFFFFF0 ss:$0x1] =	vst.idx.msk $0xffff, v7  }
0x49: {  	v61 =	vld.idx.msk [tilespmem:v1+s18+$0x0 ss:$0x1], $0xffff;
	[tilespmem:v0+s18+$0x0 ss:$0x1] =	vst.idx.msk $0xffff, v56  }
0x4a: {  	v62 =	vld.idx.msk [tilespmem:v1+s18+$0x10 ss:$0x1], $0xffff;
	[tilespmem:v0+s18+$0xFFFFFF90 ss:$0x1] =	vst.idx.msk $0xffff, v57  }
0x4b: {  	s16 =	sshll.u32 s16, $0x7;
	v63 =	vld.idx.msk [tilespmem:v1+s18+$0x20 ss:$0x1], $0xffff;
	s29 =	sand.u32 $0x78, s13;
	s30 =	sshll.u32 s13, $0x3;
	[tilespmem:v0+s18+$0xFFFFFFA0 ss:$0x1] =	vst.idx.msk $0xffff, v58  }
0x4c: {  	s15 =	sshll.u32 s15, $0x12;
	s14 =	sshll.u32 s14, $0x9;
	s16 =	sand.u32 $0x380, s16;
	[tilespmem:v0+s18+$0xFFFFFFB0 ss:$0x1] =	vst.idx.msk $0xffff, v59  }
.Ltmp4:
0x4d: {  	s16 =	sor.u32 s29, s16;
	s19 =	sand.u32 $0xC00, s30;
	[tilespmem:v0+s18+$0xFFFFFFC0 ss:$0x1] =	vst.idx.msk $0xffff, v60;
	(pc) =	sbr.rel .LBB1_5-.Ltmp4, $4  }
0x4e: {  	s31 =	sand.u32 $0x7, s13;
	s15 =	sadd.s32 s3, s15;
	[tilespmem:v0+s18+$0xFFFFFFD0 ss:$0x1] =	vst.idx.msk $0xffff, v61;
	s16 =	sor.u32 s19, s16  }
0x4f: {  	s13 =	sshll.u32 s31, $0x12;
	s14 =	sadd.s32 s14, s15;
	[tilespmem:v0+s18+$0xFFFFFFE0 ss:$0x1] =	vst.idx.msk $0xffff, v62;
	s16 =	sshrl.u32 s16, $0x3  }
0x50: {  	s13 =	sor.u32 $0x80, s13;
	[tilespmem:v0+s18+$0xFFFFFFF0 ss:$0x1] =	vst.idx.msk $0xffff, v63;
	s14 =	sadd.s32 s16, s14  }
0x51: {  	[hbm4b:s14+s13] =	stream.strided.scatter [tilespmem:s17], [sflag:$0x2], $0x4000, s7, s13, $0x38;
	[tilespmem:$0x10000] =	vst v63  }
.LBB1_6:
0x52: {  	_ =	sfence.sel $0x180000  }
0x53: {  	s2 =	simm.s32 $0x1;
	[bflag:$0x0] =	sbarrier.arrive $0xFFFF  }
0x54: {  	s31 =	simm.s32 $0x2;
	[sflag:s2] =	ssyncpa.u1 $0x1  }
0x55: {  	[sflag:s31] =	ssyncpa.u1 $0x1  }
0x56: {  	p0 =	sne.s32 s1, $0x0;
	_ =	strace $0x90000047  }
0x57: {  	s0 =	sadd.s32 @!p0 $0x100000, s0;
	[bflag:$0x2] =	sbarrier.arrive $0xFFFF  }
0x58: {  	[sflag:s0] =	ssyncadd.tile.s32 @!p0 $0x1;
	_ =	shalt  }
.Lfunc_end1:
_tile_overlayer_lowered:
.L_overlay_start_2:
0x59: {  	(tag) =	ssettag $0x2  }
0x5a: {  	s0 =	rddreg [dreg:$0x0];
	s2 =	stileid.u32  }
0x5b: {  	s1 =	rddreg [dreg:$0x1];
	p0 =	sne.s32 s2, $0x0  }
0x5c: {  	s3 =	rddreg [dreg:$0x2];
	[bflag:$0x3] =	sbarrier.arrive $0xFFFF;
	s2 =	simm.s32 @!p0 $0x1C01  }
0x5d: {  	[timem:s3], [sflag:s2] =	dma.local @!p0 [hbm:s0], s1  }
0x5e: {  	s0 =	simm.s32 @!p0 $0x1  }
0x5f: {  	_ =	swait.ge @!p0 [sflag:s0], s1  }
0x60: {  	s1 =	ssub.s32 @!p0 $0x0, s1;
	[sflag:s0] =	ssyncset.done @!p0 $0x0  }
0x61: {  	[sflag:s0] =	ssyncadd.s32 @!p0 s1  }
0x62: {  	[bflag:$0x3] =	sbarrier.arrive $0xFFFF  }
0x63: {  	_ =	shalt  }

</sc_bundles>
